<compile_context>
chip_gen: v7x
topology: tpu7x:2x2x1
jax: 0.10.2.dev20260603
libtpu: 0.0.44.dev20260713+nightly
codegen_flags: <defaults>
</compile_context>

<pallas_src>
import functools

import jax
import jax.numpy as jnp
from jax import lax
from jax.experimental import pallas as pl
from jax.experimental.pallas import tpu as pltpu
from jax.experimental.pallas import tpu_sc as plsc

L = 16
NC, NS = 2, 16
NW = NC * NS
SUB = 577
CH = L * SUB


def _sc_partials(nnz: int, in_dims: int, out_dims: int):
    n_full = nnz // CH
    tail = nnz - n_full * CH
    n_chunks = n_full + (1 if tail else 0)
    k_max = -(-n_chunks // NW)

    mesh = plsc.VectorSubcoreMesh(
        core_axis_name="c", subcore_axis_name="s",
        num_cores=NC, num_subcores=NS)

    @functools.partial(
        pl.kernel,
        out_type=jax.ShapeDtypeStruct((NW, out_dims), jnp.float32),
        mesh=mesh,
        compiler_params=pltpu.CompilerParams(needs_layout_passes=False),
        scratch_types=[
            pltpu.VMEM((in_dims,), jnp.float32),
            pltpu.VMEM((CH,), jnp.int32),
            pltpu.VMEM((CH,), jnp.int32),
            pltpu.VMEM((CH,), jnp.int32),
            pltpu.VMEM((CH,), jnp.int32),
            pltpu.VMEM((CH,), jnp.float32),
            pltpu.VMEM((CH,), jnp.float32),
            pltpu.VMEM((out_dims,), jnp.float32),
            pltpu.SemaphoreType.DMA,
            pltpu.SemaphoreType.DMA,
        ],
    )
    def sc_kernel(x_hbm, rows_hbm, cols_hbm, vals_hbm, part_hbm,
                  x_v, rows_v0, rows_v1, cols_v0, cols_v1, vals_v0, vals_v1,
                  acc_v, sem0, sem1):
        wid = lax.axis_index("s") * NC + lax.axis_index("c")
        sems = (sem0, sem1)
        rows_b = (rows_v0, rows_v1)
        cols_b = (cols_v0, cols_v1)
        vals_b = (vals_v0, vals_v1)

        def chunk_copies(cid_val, buf, n_elems):
            base = pl.multiple_of(cid_val * CH, 8)
            s = sems[buf]
            return (
                pltpu.make_async_copy(rows_hbm.at[pl.ds(base, n_elems)],
                                      rows_b[buf].at[pl.ds(0, n_elems)], s),
                pltpu.make_async_copy(cols_hbm.at[pl.ds(base, n_elems)],
                                      cols_b[buf].at[pl.ds(0, n_elems)], s),
                pltpu.make_async_copy(vals_hbm.at[pl.ds(base, n_elems)],
                                      vals_b[buf].at[pl.ds(0, n_elems)], s),
            )

        def issue(k, buf):
            cid = k * NW + wid

            @pl.when(cid < n_full)
            def _():
                for c in chunk_copies(cid, buf, CH):
                    c.start()

            if tail and (k + 1) * NW > n_full:
                @pl.when(cid == n_full)
                def _():
                    for c in chunk_copies(cid, buf, tail):
                        c.start()

        def wait(k, buf):
            cid = k * NW + wid

            @pl.when(cid < n_full)
            def _():
                for c in chunk_copies(cid, buf, CH):
                    c.wait()

            if tail and (k + 1) * NW > n_full:
                @pl.when(cid == n_full)
                def _():
                    for c in chunk_copies(cid, buf, tail):
                        c.wait()

        issue(0, 0)
        xcopy = pltpu.make_async_copy(x_hbm, x_v, sems[1])
        xcopy.start()

        def zero_step(i, _):
            acc_v[pl.ds(pl.multiple_of(i * L, L), L)] = jnp.zeros((L,), jnp.float32)
            return 0
        lax.fori_loop(0, out_dims // L, zero_step, 0)
        xcopy.wait()

        lane = lax.broadcasted_iota(jnp.int32, (L,), 0)
        lane_base = lane * SUB

        def proc_sub(buf):
            rv = rows_b[buf]
            cv = cols_b[buf]
            vv = vals_b[buf]
            r0 = plsc.load_gather(rv, [lane_base])

            @plsc.parallel_loop(0, SUB, 1, unroll=2,
                                carry=(r0, jnp.zeros((L,), jnp.float32)))
            def step(i, carry):
                r_prev, acc = carry
                idx = lane_base + i
                r = plsc.load_gather(rv, [idx])
                c = plsc.load_gather(cv, [idx])
                v = plsc.load_gather(vv, [idx])
                xg = plsc.load_gather(x_v, [c])
                p = v * xg
                changed = r != r_prev
                plsc.addupdate_scatter(acc_v, [r_prev], acc, mask=changed)
                acc = jnp.where(changed, p, acc + p)
                return r, acc

            r_last, acc = step
            plsc.addupdate_scatter(acc_v, [r_last], acc)

        def proc_linear(buf, n_elems):
            rv = rows_b[buf]
            cv = cols_b[buf]
            vv = vals_b[buf]

            def step(i, _):
                off = pl.multiple_of(i * L, L)
                c = cv[pl.ds(off, L)]
                r = rv[pl.ds(off, L)]
                v = vv[pl.ds(off, L)]
                xg = plsc.load_gather(x_v, [c])
                plsc.addupdate_scatter(acc_v, [r], v * xg)
                return 0
            lax.fori_loop(0, n_elems // L, step, 0)
            rem = n_elems % L
            if rem:
                base = n_elems - rem
                m = lane < rem
                c = jnp.where(m, cv[pl.ds(base, L)], 0)
                r = jnp.where(m, rv[pl.ds(base, L)], 0)
                v = jnp.where(m, vv[pl.ds(base, L)], 0.0)
                xg = plsc.load_gather(x_v, [c], mask=m)
                plsc.addupdate_scatter(acc_v, [r], v * xg, mask=m)

        for k in range(k_max):
            buf = k & 1
            if k + 1 < k_max:
                issue(k + 1, buf ^ 1)
            wait(k, buf)
            cid = k * NW + wid

            @pl.when(cid < n_full)
            def _():
                proc_sub(buf)

            if tail and (k + 1) * NW > n_full:
                @pl.when(cid == n_full)
                def _():
                    proc_linear(buf, tail)

        pltpu.sync_copy(acc_v, part_hbm.at[wid])

    return sc_kernel


def _tc_reduce(part, b2):
    def body(p_ref, b_ref, o_ref):
        o_ref[...] = jnp.sum(p_ref[...], axis=0, keepdims=True) + b_ref[...]

    return pl.pallas_call(
        body,
        out_shape=jax.ShapeDtypeStruct((1, part.shape[1]), jnp.float32),
    )(part, b2)


def kernel(x, rows, cols, vals, B):
    nnz = rows.shape[0]
    in_dims = x.shape[0]
    out_dims = B.shape[0]
    part = _sc_partials(nnz, in_dims, out_dims)(x, rows, cols, vals)
    out = _tc_reduce(part, B.reshape(1, out_dims))
    return out.reshape(out_dims)

# --- scband reference (transcript-rebuilt; emitter-appended) ---
"""Pipeline reference for scband-sparse-linear-10866267259295 (READ-ONLY COPY).

The authoritative reference and input builder live on the scoring server;
editing this copy changes nothing except your own understanding.
"""

import jax, jax.numpy as jnp
import numpy as np

IN_DIMS = 16384
OUT_DIMS = 16384
SPARSITY = 0.999
DENSE_ROWS = 64
DENSE_COLS = 64


def setup_inputs(seed: int = 0) -> dict:
    rng = np.random.default_rng(0)
    # Build the sparsity mask in (in_dims, out_dims) orientation, chunked to bound memory.
    mask = np.zeros((IN_DIMS, OUT_DIMS), dtype=bool)
    chunk = 1024
    for i in range(0, IN_DIMS, chunk):
        h = min(chunk, IN_DIMS - i)
        mask[i:i + h] = rng.random((h, OUT_DIMS), dtype=np.float32) >= SPARSITY
    fill_rows = rng.choice(IN_DIMS, DENSE_ROWS, replace=False)
    fill_cols = rng.choice(OUT_DIMS, DENSE_COLS, replace=False)
    mask[fill_rows] = True
    mask[:, fill_cols] = True
    # The module stores W = (weights * mask).T, i.e. shape (out_dims, in_dims) in BCOO.
    maskT = mask.T
    rows, cols = np.nonzero(maskT)  # rows index out_dims, cols index in_dims; rows sorted
    nnz = rows.shape[0]
    scale = np.float32(1.0 / np.sqrt(float(IN_DIMS) * float(OUT_DIMS)))
    vals = rng.standard_normal(nnz).astype(np.float32) * scale
    B = rng.standard_normal(OUT_DIMS).astype(np.float32)
    key = jax.random.key(seed)
    x = jax.random.normal(key, (IN_DIMS,), dtype=jnp.float32)
    return {
        "x": x,
        "rows": jnp.asarray(rows, dtype=jnp.int32),
        "cols": jnp.asarray(cols, dtype=jnp.int32),
        "vals": jnp.asarray(vals),
        "B": jnp.asarray(B),
    }


def reference(x, rows, cols, vals, B):
    # out = W @ x + B where W is COO with (rows -> out idx, cols -> in idx, vals)
    gathered = vals * jnp.take(x, cols)
    out = jax.ops.segment_sum(gathered, rows, num_segments=OUT_DIMS, indices_are_sorted=True)
    return out + B

if __name__ == "__main__":
    import jax
    _d = setup_inputs()
    print(jax.jit(kernel)(*tuple(_d.values())))

</pallas_src>

<mosaic_0001>
#map = affine_map<(d0, d1) -> (0)>
#map1 = affine_map<(d0, d1) -> (0, 0)>
module attributes {stable_mosaic.version = 14 : i64} {
  func.func @sc_kernel(%arg0: i32, %arg1: i32, %arg2: memref<16384xf32, #tpu.memory_space<hbm>>, %arg3: memref<2358820xi32, #tpu.memory_space<hbm>>, %arg4: memref<2358820xi32, #tpu.memory_space<hbm>>, %arg5: memref<2358820xf32, #tpu.memory_space<hbm>>, %arg6: memref<32x16384xf32, #tpu.memory_space<hbm>>, %arg7: memref<16384xf32, #tpu.memory_space<vmem>>, %arg8: memref<9232xi32, #tpu.memory_space<vmem>>, %arg9: memref<9232xi32, #tpu.memory_space<vmem>>, %arg10: memref<9232xi32, #tpu.memory_space<vmem>>, %arg11: memref<9232xi32, #tpu.memory_space<vmem>>, %arg12: memref<9232xf32, #tpu.memory_space<vmem>>, %arg13: memref<9232xf32, #tpu.memory_space<vmem>>, %arg14: memref<16384xf32, #tpu.memory_space<vmem>>, %arg15: memref<!tpu.dma_semaphore, #tpu.memory_space<semaphore_mem>>, %arg16: memref<!tpu.dma_semaphore, #tpu.memory_space<semaphore_mem>>) attributes {dimension_semantics = [#tpu.dimension_semantics<core_parallel>, #tpu.dimension_semantics<subcore_parallel>], iteration_bounds = array<i64: 2, 16>, scalar_prefetch = 0 : i64, scratch_operands = 10 : i64, tpu.core_type = #tpu.core_type<sc_vector_subcore>, window_params = [{transform_indices = #map}, {transform_indices = #map}, {transform_indices = #map}, {transform_indices = #map}, {transform_indices = #map1}]} {
    %mul3A = arith.constant 2 : i32
    %mul3A_0 = arith.muli %arg1, %mul3A : i32
    %add3A = arith.addi %mul3A_0, %arg0 : i32
    %add3A_1 = arith.constant 0 : i32
    %add3A_2 = arith.addi %add3A_1, %add3A : i32
    %lt3A = arith.constant 255 : i32
    %lt3A_3 = arith.cmpi slt, %add3A_2, %lt3A : i32
    %convert_element_type3A = arith.extui %lt3A_3 : i1 to i32
    %cond3A = arith.constant 0 : i32
    %cond3A_4 = arith.cmpi ne, %convert_element_type3A, %cond3A : i32
    scf.if %cond3A_4 {
      %mul3A_189 = arith.constant 9232 : i32
      %mul3A_190 = arith.muli %add3A_2, %mul3A_189 : i32
      %multiple_of3A = tpu.assume_multiple %mul3A_190, 8 : i32
      %dma_start3A = arith.constant 0 : i32
      %dma_start3A_191 = tpu.memref_slice %arg8[%dma_start3A] : memref<9232xi32, #tpu.memory_space<vmem>> -> memref<9232xi32, #tpu.memory_space<vmem>>
      %dma_start3A_192 = tpu.memref_slice %arg3[%multiple_of3A] : memref<2358820xi32, #tpu.memory_space<hbm>> -> memref<9232xi32, #tpu.memory_space<hbm>>
      %dma_start3A_193 = arith.constant 0 : i32
      %dma_start3A_194 = tpu.memref_slice %arg8[%dma_start3A_193] : memref<9232xi32, #tpu.memory_space<vmem>> -> memref<9232xi32, #tpu.memory_space<vmem>>
      %dma_start3A_195 = tpu.memref_slice %arg3[%multiple_of3A] : memref<2358820xi32, #tpu.memory_space<hbm>> -> memref<9232xi32, #tpu.memory_space<hbm>>
      tpu.enqueue_dma source(%dma_start3A_195 : memref<9232xi32, #tpu.memory_space<hbm>>) target(%dma_start3A_194 : memref<9232xi32, #tpu.memory_space<vmem>>) target_semaphore(%arg15 : memref<!tpu.dma_semaphore, #tpu.memory_space<semaphore_mem>>)
      %dma_start3A_196 = arith.constant 0 : i32
      %dma_start3A_197 = tpu.memref_slice %arg10[%dma_start3A_196] : memref<9232xi32, #tpu.memory_space<vmem>> -> memref<9232xi32, #tpu.memory_space<vmem>>
      %dma_start3A_198 = tpu.memref_slice %arg4[%multiple_of3A] : memref<2358820xi32, #tpu.memory_space<hbm>> -> memref<9232xi32, #tpu.memory_space<hbm>>
      %dma_start3A_199 = arith.constant 0 : i32
      %dma_start3A_200 = tpu.memref_slice %arg10[%dma_start3A_199] : memref<9232xi32, #tpu.memory_space<vmem>> -> memref<9232xi32, #tpu.memory_space<vmem>>
      %dma_start3A_201 = tpu.memref_slice %arg4[%multiple_of3A] : memref<2358820xi32, #tpu.memory_space<hbm>> -> memref<9232xi32, #tpu.memory_space<hbm>>
      tpu.enqueue_dma source(%dma_start3A_201 : memref<9232xi32, #tpu.memory_space<hbm>>) target(%dma_start3A_200 : memref<9232xi32, #tpu.memory_space<vmem>>) target_semaphore(%arg15 : memref<!tpu.dma_semaphore, #tpu.memory_space<semaphore_mem>>)
      %dma_start3A_202 = arith.constant 0 : i32
      %dma_start3A_203 = tpu.memref_slice %arg12[%dma_start3A_202] : memref<9232xf32, #tpu.memory_space<vmem>> -> memref<9232xf32, #tpu.memory_space<vmem>>
      %dma_start3A_204 = tpu.memref_slice %arg5[%multiple_of3A] : memref<2358820xf32, #tpu.memory_space<hbm>> -> memref<9232xf32, #tpu.memory_space<hbm>>
      %dma_start3A_205 = arith.constant 0 : i32
      %dma_start3A_206 = tpu.memref_slice %arg12[%dma_start3A_205] : memref<9232xf32, #tpu.memory_space<vmem>> -> memref<9232xf32, #tpu.memory_space<vmem>>
      %dma_start3A_207 = tpu.memref_slice %arg5[%multiple_of3A] : memref<2358820xf32, #tpu.memory_space<hbm>> -> memref<9232xf32, #tpu.memory_space<hbm>>
      tpu.enqueue_dma source(%dma_start3A_207 : memref<9232xf32, #tpu.memory_space<hbm>>) target(%dma_start3A_206 : memref<9232xf32, #tpu.memory_space<vmem>>) target_semaphore(%arg15 : memref<!tpu.dma_semaphore, #tpu.memory_space<semaphore_mem>>)
    } else {
    }
    tpu.enqueue_dma source(%arg2 : memref<16384xf32, #tpu.memory_space<hbm>>) target(%arg7 : memref<16384xf32, #tpu.memory_space<vmem>>) target_semaphore(%arg16 : memref<!tpu.dma_semaphore, #tpu.memory_space<semaphore_mem>>)
    %scan3A = arith.constant 0 : i32
    %scan3A_5 = arith.constant 0 : i32
    %scan3A_6 = arith.constant 1024 : i32
    %scan3A_7 = arith.addi %scan3A_5, %scan3A_6 : i32
    %scan3A_8 = arith.constant 1 : i32
    %scan3A_9 = scf.for %scan3A_189 = %scan3A_5 to %scan3A_7 step %scan3A_8 iter_args(%scan3A_190 = %scan3A) -> (i32)  : i32 {
      %broadcast_in_dim3A = arith.constant 0.000000e+00 : f32
      %broadcast_in_dim3A_191 = vector.broadcast %broadcast_in_dim3A : f32 to vector<16xf32>
      %mul3A_192 = arith.constant 16 : i32
      %mul3A_193 = arith.muli %scan3A_189, %mul3A_192 : i32
      %multiple_of3A = tpu.assume_multiple %mul3A_193, 16 : i32
      %swap3A = arith.index_cast %multiple_of3A : i32 to index
      %swap3A_194 = tpu.vector_load %arg14[%swap3A] {strides = array<i32>} : memref<16384xf32, #tpu.memory_space<vmem>>, vector<16xf32>,
      tpu.vector_store %arg14[%swap3A], %broadcast_in_dim3A_191 {strides = array<i32>} : memref<16384xf32, #tpu.memory_space<vmem>>, vector<16xf32>,
      %scan3A_195 = arith.constant 0 : i32
      scf.yield %scan3A_195 : i32
    }
    %scan3A_10 = arith.constant 1024 : i32
    tpu.wait_dma2 semaphore(%arg16 : memref<!tpu.dma_semaphore, #tpu.memory_space<semaphore_mem>>) src(%arg2 : memref<16384xf32, #tpu.memory_space<hbm>>) dst(%arg7 : memref<16384xf32, #tpu.memory_space<vmem>>)
    %iota3A = tpu.iota {dimensions = array<i32: 0>} : vector<16xi32>
    %mul3A_11 = arith.constant 577 : i32
    %mul3A_12 = vector.broadcast %mul3A_11 : i32 to vector<16xi32>
    %mul3A_13 = arith.muli %iota3A, %mul3A_12 : vector<16xi32>
    %add3A_14 = arith.constant 32 : i32
    %add3A_15 = arith.addi %add3A_14, %add3A : i32
    %lt3A_16 = arith.constant 255 : i32
    %lt3A_17 = arith.cmpi slt, %add3A_15, %lt3A_16 : i32
    %convert_element_type3A_18 = arith.extui %lt3A_17 : i1 to i32
    %cond3A_19 = arith.constant 0 : i32
    %cond3A_20 = arith.cmpi ne, %convert_element_type3A_18, %cond3A_19 : i32
    scf.if %cond3A_20 {
      %mul3A_189 = arith.constant 9232 : i32
      %mul3A_190 = arith.muli %add3A_15, %mul3A_189 : i32
      %multiple_of3A = tpu.assume_multiple %mul3A_190, 8 : i32
      %dma_start3A = arith.constant 0 : i32
      %dma_start3A_191 = tpu.memref_slice %arg9[%dma_start3A] : memref<9232xi32, #tpu.memory_space<vmem>> -> memref<9232xi32, #tpu.memory_space<vmem>>
      %dma_start3A_192 = tpu.memref_slice %arg3[%multiple_of3A] : memref<2358820xi32, #tpu.memory_space<hbm>> -> memref<9232xi32, #tpu.memory_space<hbm>>
      %dma_start3A_193 = arith.constant 0 : i32
      %dma_start3A_194 = tpu.memref_slice %arg9[%dma_start3A_193] : memref<9232xi32, #tpu.memory_space<vmem>> -> memref<9232xi32, #tpu.memory_space<vmem>>
      %dma_start3A_195 = tpu.memref_slice %arg3[%multiple_of3A] : memref<2358820xi32, #tpu.memory_space<hbm>> -> memref<9232xi32, #tpu.memory_space<hbm>>
      tpu.enqueue_dma source(%dma_start3A_195 : memref<9232xi32, #tpu.memory_space<hbm>>) target(%dma_start3A_194 : memref<9232xi32, #tpu.memory_space<vmem>>) target_semaphore(%arg16 : memref<!tpu.dma_semaphore, #tpu.memory_space<semaphore_mem>>)
      %dma_start3A_196 = arith.constant 0 : i32
      %dma_start3A_197 = tpu.memref_slice %arg11[%dma_start3A_196] : memref<9232xi32, #tpu.memory_space<vmem>> -> memref<9232xi32, #tpu.memory_space<vmem>>
      %dma_start3A_198 = tpu.memref_slice %arg4[%multiple_of3A] : memref<2358820xi32, #tpu.memory_space<hbm>> -> memref<9232xi32, #tpu.memory_space<hbm>>
      %dma_start3A_199 = arith.constant 0 : i32
      %dma_start3A_200 = tpu.memref_slice %arg11[%dma_start3A_199] : memref<9232xi32, #tpu.memory_space<vmem>> -> memref<9232xi32, #tpu.memory_space<vmem>>
      %dma_start3A_201 = tpu.memref_slice %arg4[%multiple_of3A] : memref<2358820xi32, #tpu.memory_space<hbm>> -> memref<9232xi32, #tpu.memory_space<hbm>>
      tpu.enqueue_dma source(%dma_start3A_201 : memref<9232xi32, #tpu.memory_space<hbm>>) target(%dma_start3A_200 : memref<9232xi32, #tpu.memory_space<vmem>>) target_semaphore(%arg16 : memref<!tpu.dma_semaphore, #tpu.memory_space<semaphore_mem>>)
      %dma_start3A_202 = arith.constant 0 : i32
      %dma_start3A_203 = tpu.memref_slice %arg13[%dma_start3A_202] : memref<9232xf32, #tpu.memory_space<vmem>> -> memref<9232xf32, #tpu.memory_space<vmem>>
      %dma_start3A_204 = tpu.memref_slice %arg5[%multiple_of3A] : memref<2358820xf32, #tpu.memory_space<hbm>> -> memref<9232xf32, #tpu.memory_space<hbm>>
      %dma_start3A_205 = arith.constant 0 : i32
      %dma_start3A_206 = tpu.memref_slice %arg13[%dma_start3A_205] : memref<9232xf32, #tpu.memory_space<vmem>> -> memref<9232xf32, #tpu.memory_space<vmem>>
      %dma_start3A_207 = tpu.memref_slice %arg5[%multiple_of3A] : memref<2358820xf32, #tpu.memory_space<hbm>> -> memref<9232xf32, #tpu.memory_space<hbm>>
      tpu.enqueue_dma source(%dma_start3A_207 : memref<9232xf32, #tpu.memory_space<hbm>>) target(%dma_start3A_206 : memref<9232xf32, #tpu.memory_space<vmem>>) target_semaphore(%arg16 : memref<!tpu.dma_semaphore, #tpu.memory_space<semaphore_mem>>)
    } else {
    }
    %add3A_21 = arith.constant 0 : i32
    %add3A_22 = arith.addi %add3A_21, %add3A : i32
    %lt3A_23 = arith.constant 255 : i32
    %lt3A_24 = arith.cmpi slt, %add3A_22, %lt3A_23 : i32
    %convert_element_type3A_25 = arith.extui %lt3A_24 : i1 to i32
    %cond3A_26 = arith.constant 0 : i32
    %cond3A_27 = arith.cmpi ne, %convert_element_type3A_25, %cond3A_26 : i32
    scf.if %cond3A_27 {
      %mul3A_189 = arith.constant 9232 : i32
      %mul3A_190 = arith.muli %add3A_22, %mul3A_189 : i32
      %multiple_of3A = tpu.assume_multiple %mul3A_190, 8 : i32
      %dma_wait3A = arith.constant 0 : i32
      %dma_wait3A_191 = tpu.memref_slice %arg8[%dma_wait3A] : memref<9232xi32, #tpu.memory_space<vmem>> -> memref<9232xi32, #tpu.memory_space<vmem>>
      %dma_wait3A_192 = tpu.memref_slice %arg3[%multiple_of3A] : memref<2358820xi32, #tpu.memory_space<hbm>> -> memref<9232xi32, #tpu.memory_space<hbm>>
      %dma_wait3A_193 = arith.constant 0 : i32
      %dma_wait3A_194 = tpu.memref_slice %arg8[%dma_wait3A_193] : memref<9232xi32, #tpu.memory_space<vmem>> -> memref<9232xi32, #tpu.memory_space<vmem>>
      %dma_wait3A_195 = tpu.memref_slice %arg3[%multiple_of3A] : memref<2358820xi32, #tpu.memory_space<hbm>> -> memref<9232xi32, #tpu.memory_space<hbm>>
      tpu.wait_dma2 semaphore(%arg15 : memref<!tpu.dma_semaphore, #tpu.memory_space<semaphore_mem>>) src(%dma_wait3A_195 : memref<9232xi32, #tpu.memory_space<hbm>>) dst(%dma_wait3A_194 : memref<9232xi32, #tpu.memory_space<vmem>>)
      %dma_wait3A_196 = arith.constant 0 : i32
      %dma_wait3A_197 = tpu.memref_slice %arg10[%dma_wait3A_196] : memref<9232xi32, #tpu.memory_space<vmem>> -> memref<9232xi32, #tpu.memory_space<vmem>>
      %dma_wait3A_198 = tpu.memref_slice %arg4[%multiple_of3A] : memref<2358820xi32, #tpu.memory_space<hbm>> -> memref<9232xi32, #tpu.memory_space<hbm>>
      %dma_wait3A_199 = arith.constant 0 : i32
      %dma_wait3A_200 = tpu.memref_slice %arg10[%dma_wait3A_199] : memref<9232xi32, #tpu.memory_space<vmem>> -> memref<9232xi32, #tpu.memory_space<vmem>>
      %dma_wait3A_201 = tpu.memref_slice %arg4[%multiple_of3A] : memref<2358820xi32, #tpu.memory_space<hbm>> -> memref<9232xi32, #tpu.memory_space<hbm>>
      tpu.wait_dma2 semaphore(%arg15 : memref<!tpu.dma_semaphore, #tpu.memory_space<semaphore_mem>>) src(%dma_wait3A_201 : memref<9232xi32, #tpu.memory_space<hbm>>) dst(%dma_wait3A_200 : memref<9232xi32, #tpu.memory_space<vmem>>)
      %dma_wait3A_202 = arith.constant 0 : i32
      %dma_wait3A_203 = tpu.memref_slice %arg12[%dma_wait3A_202] : memref<9232xf32, #tpu.memory_space<vmem>> -> memref<9232xf32, #tpu.memory_space<vmem>>
      %dma_wait3A_204 = tpu.memref_slice %arg5[%multiple_of3A] : memref<2358820xf32, #tpu.memory_space<hbm>> -> memref<9232xf32, #tpu.memory_space<hbm>>
      %dma_wait3A_205 = arith.constant 0 : i32
      %dma_wait3A_206 = tpu.memref_slice %arg12[%dma_wait3A_205] : memref<9232xf32, #tpu.memory_space<vmem>> -> memref<9232xf32, #tpu.memory_space<vmem>>
      %dma_wait3A_207 = tpu.memref_slice %arg5[%multiple_of3A] : memref<2358820xf32, #tpu.memory_space<hbm>> -> memref<9232xf32, #tpu.memory_space<hbm>>
      tpu.wait_dma2 semaphore(%arg15 : memref<!tpu.dma_semaphore, #tpu.memory_space<semaphore_mem>>) src(%dma_wait3A_207 : memref<9232xf32, #tpu.memory_space<hbm>>) dst(%dma_wait3A_206 : memref<9232xf32, #tpu.memory_space<vmem>>)
    } else {
    }
    %add3A_28 = arith.constant 0 : i32
    %add3A_29 = arith.addi %add3A_28, %add3A : i32
    %lt3A_30 = arith.constant 255 : i32
    %lt3A_31 = arith.cmpi slt, %add3A_29, %lt3A_30 : i32
    %convert_element_type3A_32 = arith.extui %lt3A_31 : i1 to i32
    %cond3A_33 = arith.constant 0 : i32
    %cond3A_34 = arith.cmpi ne, %convert_element_type3A_32, %cond3A_33 : i32
    scf.if %cond3A_34 {
      %gather3A = tpu.vector_load_idx %arg8[%mul3A_13] : memref<9232xi32, #tpu.memory_space<vmem>>[vector<16xi32>], vector<16xi32>,
      %broadcast_in_dim3A = arith.constant 0.000000e+00 : f32
      %broadcast_in_dim3A_189 = vector.broadcast %broadcast_in_dim3A : f32 to vector<16xf32>
      %parallel_loop3A = arith.constant 0 : i32
      %parallel_loop3A_190 = arith.constant 577 : i32
      %parallel_loop3A_191 = arith.constant 1 : i32
      %parallel_loop3A_192:2 = scf.for %parallel_loop3A_193 = %parallel_loop3A to %parallel_loop3A_190 step %parallel_loop3A_191 iter_args(%parallel_loop3A_194 = %gather3A, %parallel_loop3A_195 = %broadcast_in_dim3A_189) -> (vector<16xi32>, vector<16xf32>)  : i32 {
        %parallel_loop3A_196 = vector.broadcast %parallel_loop3A_193 : i32 to vector<16xi32>
        %parallel_loop3A_197 = arith.addi %mul3A_13, %parallel_loop3A_196 : vector<16xi32>
        %parallel_loop3A_198 = tpu.vector_load_idx %arg8[%parallel_loop3A_197] : memref<9232xi32, #tpu.memory_space<vmem>>[vector<16xi32>], vector<16xi32>,
        %parallel_loop3A_199 = tpu.vector_load_idx %arg10[%parallel_loop3A_197] : memref<9232xi32, #tpu.memory_space<vmem>>[vector<16xi32>], vector<16xi32>,
        %parallel_loop3A_200 = tpu.vector_load_idx %arg12[%parallel_loop3A_197] : memref<9232xf32, #tpu.memory_space<vmem>>[vector<16xi32>], vector<16xf32>,
        %parallel_loop3A_201 = tpu.vector_load_idx %arg7[%parallel_loop3A_199] : memref<16384xf32, #tpu.memory_space<vmem>>[vector<16xi32>], vector<16xf32>,
        %parallel_loop3A_202 = arith.mulf %parallel_loop3A_200, %parallel_loop3A_201 : vector<16xf32>
        %parallel_loop3A_203 = arith.cmpi ne, %parallel_loop3A_198, %parallel_loop3A_194 : vector<16xi32>
        tpu.vector_store_idx %arg14[%parallel_loop3A_194], %parallel_loop3A_195 masked %parallel_loop3A_203 {add = true} : memref<16384xf32, #tpu.memory_space<vmem>>[vector<16xi32>], vector<16xf32>, vector<16xi1>
        %parallel_loop3A_204 = arith.addf %parallel_loop3A_195, %parallel_loop3A_202 : vector<16xf32>
        %parallel_loop3A_205 = arith.select %parallel_loop3A_203, %parallel_loop3A_202, %parallel_loop3A_204 : vector<16xi1>, vector<16xf32>
        scf.yield %parallel_loop3A_198, %parallel_loop3A_205 : vector<16xi32>, vector<16xf32>
      } {sc.loop_unroll_factor = 2 : i64, sc.parallel_access}
      tpu.vector_store_idx %arg14[%parallel_loop3A_192#0], %parallel_loop3A_192#1 {add = true} : memref<16384xf32, #tpu.memory_space<vmem>>[vector<16xi32>], vector<16xf32>,
    } else {
    }
    %add3A_35 = arith.constant 64 : i32
    %add3A_36 = arith.addi %add3A_35, %add3A : i32
    %lt3A_37 = arith.constant 255 : i32
    %lt3A_38 = arith.cmpi slt, %add3A_36, %lt3A_37 : i32
    %convert_element_type3A_39 = arith.extui %lt3A_38 : i1 to i32
    %cond3A_40 = arith.constant 0 : i32
    %cond3A_41 = arith.cmpi ne, %convert_element_type3A_39, %cond3A_40 : i32
    scf.if %cond3A_41 {
      %mul3A_189 = arith.constant 9232 : i32
      %mul3A_190 = arith.muli %add3A_36, %mul3A_189 : i32
      %multiple_of3A = tpu.assume_multiple %mul3A_190, 8 : i32
      %dma_start3A = arith.constant 0 : i32
      %dma_start3A_191 = tpu.memref_slice %arg8[%dma_start3A] : memref<9232xi32, #tpu.memory_space<vmem>> -> memref<9232xi32, #tpu.memory_space<vmem>>
      %dma_start3A_192 = tpu.memref_slice %arg3[%multiple_of3A] : memref<2358820xi32, #tpu.memory_space<hbm>> -> memref<9232xi32, #tpu.memory_space<hbm>>
      %dma_start3A_193 = arith.constant 0 : i32
      %dma_start3A_194 = tpu.memref_slice %arg8[%dma_start3A_193] : memref<9232xi32, #tpu.memory_space<vmem>> -> memref<9232xi32, #tpu.memory_space<vmem>>
      %dma_start3A_195 = tpu.memref_slice %arg3[%multiple_of3A] : memref<2358820xi32, #tpu.memory_space<hbm>> -> memref<9232xi32, #tpu.memory_space<hbm>>
      tpu.enqueue_dma source(%dma_start3A_195 : memref<9232xi32, #tpu.memory_space<hbm>>) target(%dma_start3A_194 : memref<9232xi32, #tpu.memory_space<vmem>>) target_semaphore(%arg15 : memref<!tpu.dma_semaphore, #tpu.memory_space<semaphore_mem>>)
      %dma_start3A_196 = arith.constant 0 : i32
      %dma_start3A_197 = tpu.memref_slice %arg10[%dma_start3A_196] : memref<9232xi32, #tpu.memory_space<vmem>> -> memref<9232xi32, #tpu.memory_space<vmem>>
      %dma_start3A_198 = tpu.memref_slice %arg4[%multiple_of3A] : memref<2358820xi32, #tpu.memory_space<hbm>> -> memref<9232xi32, #tpu.memory_space<hbm>>
      %dma_start3A_199 = arith.constant 0 : i32
      %dma_start3A_200 = tpu.memref_slice %arg10[%dma_start3A_199] : memref<9232xi32, #tpu.memory_space<vmem>> -> memref<9232xi32, #tpu.memory_space<vmem>>
      %dma_start3A_201 = tpu.memref_slice %arg4[%multiple_of3A] : memref<2358820xi32, #tpu.memory_space<hbm>> -> memref<9232xi32, #tpu.memory_space<hbm>>
      tpu.enqueue_dma source(%dma_start3A_201 : memref<9232xi32, #tpu.memory_space<hbm>>) target(%dma_start3A_200 : memref<9232xi32, #tpu.memory_space<vmem>>) target_semaphore(%arg15 : memref<!tpu.dma_semaphore, #tpu.memory_space<semaphore_mem>>)
      %dma_start3A_202 = arith.constant 0 : i32
      %dma_start3A_203 = tpu.memref_slice %arg12[%dma_start3A_202] : memref<9232xf32, #tpu.memory_space<vmem>> -> memref<9232xf32, #tpu.memory_space<vmem>>
      %dma_start3A_204 = tpu.memref_slice %arg5[%multiple_of3A] : memref<2358820xf32, #tpu.memory_space<hbm>> -> memref<9232xf32, #tpu.memory_space<hbm>>
      %dma_start3A_205 = arith.constant 0 : i32
      %dma_start3A_206 = tpu.memref_slice %arg12[%dma_start3A_205] : memref<9232xf32, #tpu.memory_space<vmem>> -> memref<9232xf32, #tpu.memory_space<vmem>>
      %dma_start3A_207 = tpu.memref_slice %arg5[%multiple_of3A] : memref<2358820xf32, #tpu.memory_space<hbm>> -> memref<9232xf32, #tpu.memory_space<hbm>>
      tpu.enqueue_dma source(%dma_start3A_207 : memref<9232xf32, #tpu.memory_space<hbm>>) target(%dma_start3A_206 : memref<9232xf32, #tpu.memory_space<vmem>>) target_semaphore(%arg15 : memref<!tpu.dma_semaphore, #tpu.memory_space<semaphore_mem>>)
    } else {
    }
    %add3A_42 = arith.constant 32 : i32
    %add3A_43 = arith.addi %add3A_42, %add3A : i32
    %lt3A_44 = arith.constant 255 : i32
    %lt3A_45 = arith.cmpi slt, %add3A_43, %lt3A_44 : i32
    %convert_element_type3A_46 = arith.extui %lt3A_45 : i1 to i32
    %cond3A_47 = arith.constant 0 : i32
    %cond3A_48 = arith.cmpi ne, %convert_element_type3A_46, %cond3A_47 : i32
    scf.if %cond3A_48 {
      %mul3A_189 = arith.constant 9232 : i32
      %mul3A_190 = arith.muli %add3A_43, %mul3A_189 : i32
      %multiple_of3A = tpu.assume_multiple %mul3A_190, 8 : i32
      %dma_wait3A = arith.constant 0 : i32
      %dma_wait3A_191 = tpu.memref_slice %arg9[%dma_wait3A] : memref<9232xi32, #tpu.memory_space<vmem>> -> memref<9232xi32, #tpu.memory_space<vmem>>
      %dma_wait3A_192 = tpu.memref_slice %arg3[%multiple_of3A] : memref<2358820xi32, #tpu.memory_space<hbm>> -> memref<9232xi32, #tpu.memory_space<hbm>>
      %dma_wait3A_193 = arith.constant 0 : i32
      %dma_wait3A_194 = tpu.memref_slice %arg9[%dma_wait3A_193] : memref<9232xi32, #tpu.memory_space<vmem>> -> memref<9232xi32, #tpu.memory_space<vmem>>
      %dma_wait3A_195 = tpu.memref_slice %arg3[%multiple_of3A] : memref<2358820xi32, #tpu.memory_space<hbm>> -> memref<9232xi32, #tpu.memory_space<hbm>>
      tpu.wait_dma2 semaphore(%arg16 : memref<!tpu.dma_semaphore, #tpu.memory_space<semaphore_mem>>) src(%dma_wait3A_195 : memref<9232xi32, #tpu.memory_space<hbm>>) dst(%dma_wait3A_194 : memref<9232xi32, #tpu.memory_space<vmem>>)
      %dma_wait3A_196 = arith.constant 0 : i32
      %dma_wait3A_197 = tpu.memref_slice %arg11[%dma_wait3A_196] : memref<9232xi32, #tpu.memory_space<vmem>> -> memref<9232xi32, #tpu.memory_space<vmem>>
      %dma_wait3A_198 = tpu.memref_slice %arg4[%multiple_of3A] : memref<2358820xi32, #tpu.memory_space<hbm>> -> memref<9232xi32, #tpu.memory_space<hbm>>
      %dma_wait3A_199 = arith.constant 0 : i32
      %dma_wait3A_200 = tpu.memref_slice %arg11[%dma_wait3A_199] : memref<9232xi32, #tpu.memory_space<vmem>> -> memref<9232xi32, #tpu.memory_space<vmem>>
      %dma_wait3A_201 = tpu.memref_slice %arg4[%multiple_of3A] : memref<2358820xi32, #tpu.memory_space<hbm>> -> memref<9232xi32, #tpu.memory_space<hbm>>
      tpu.wait_dma2 semaphore(%arg16 : memref<!tpu.dma_semaphore, #tpu.memory_space<semaphore_mem>>) src(%dma_wait3A_201 : memref<9232xi32, #tpu.memory_space<hbm>>) dst(%dma_wait3A_200 : memref<9232xi32, #tpu.memory_space<vmem>>)
      %dma_wait3A_202 = arith.constant 0 : i32
      %dma_wait3A_203 = tpu.memref_slice %arg13[%dma_wait3A_202] : memref<9232xf32, #tpu.memory_space<vmem>> -> memref<9232xf32, #tpu.memory_space<vmem>>
      %dma_wait3A_204 = tpu.memref_slice %arg5[%multiple_of3A] : memref<2358820xf32, #tpu.memory_space<hbm>> -> memref<9232xf32, #tpu.memory_space<hbm>>
      %dma_wait3A_205 = arith.constant 0 : i32
      %dma_wait3A_206 = tpu.memref_slice %arg13[%dma_wait3A_205] : memref<9232xf32, #tpu.memory_space<vmem>> -> memref<9232xf32, #tpu.memory_space<vmem>>
      %dma_wait3A_207 = tpu.memref_slice %arg5[%multiple_of3A] : memref<2358820xf32, #tpu.memory_space<hbm>> -> memref<9232xf32, #tpu.memory_space<hbm>>
      tpu.wait_dma2 semaphore(%arg16 : memref<!tpu.dma_semaphore, #tpu.memory_space<semaphore_mem>>) src(%dma_wait3A_207 : memref<9232xf32, #tpu.memory_space<hbm>>) dst(%dma_wait3A_206 : memref<9232xf32, #tpu.memory_space<vmem>>)
    } else {
    }
    %add3A_49 = arith.constant 32 : i32
    %add3A_50 = arith.addi %add3A_49, %add3A : i32
    %lt3A_51 = arith.constant 255 : i32
    %lt3A_52 = arith.cmpi slt, %add3A_50, %lt3A_51 : i32
    %convert_element_type3A_53 = arith.extui %lt3A_52 : i1 to i32
    %cond3A_54 = arith.constant 0 : i32
    %cond3A_55 = arith.cmpi ne, %convert_element_type3A_53, %cond3A_54 : i32
    scf.if %cond3A_55 {
      %gather3A = tpu.vector_load_idx %arg9[%mul3A_13] : memref<9232xi32, #tpu.memory_space<vmem>>[vector<16xi32>], vector<16xi32>,
      %broadcast_in_dim3A = arith.constant 0.000000e+00 : f32
      %broadcast_in_dim3A_189 = vector.broadcast %broadcast_in_dim3A : f32 to vector<16xf32>
      %parallel_loop3A = arith.constant 0 : i32
      %parallel_loop3A_190 = arith.constant 577 : i32
      %parallel_loop3A_191 = arith.constant 1 : i32
      %parallel_loop3A_192:2 = scf.for %parallel_loop3A_193 = %parallel_loop3A to %parallel_loop3A_190 step %parallel_loop3A_191 iter_args(%parallel_loop3A_194 = %gather3A, %parallel_loop3A_195 = %broadcast_in_dim3A_189) -> (vector<16xi32>, vector<16xf32>)  : i32 {
        %parallel_loop3A_196 = vector.broadcast %parallel_loop3A_193 : i32 to vector<16xi32>
        %parallel_loop3A_197 = arith.addi %mul3A_13, %parallel_loop3A_196 : vector<16xi32>
        %parallel_loop3A_198 = tpu.vector_load_idx %arg9[%parallel_loop3A_197] : memref<9232xi32, #tpu.memory_space<vmem>>[vector<16xi32>], vector<16xi32>,
        %parallel_loop3A_199 = tpu.vector_load_idx %arg11[%parallel_loop3A_197] : memref<9232xi32, #tpu.memory_space<vmem>>[vector<16xi32>], vector<16xi32>,
        %parallel_loop3A_200 = tpu.vector_load_idx %arg13[%parallel_loop3A_197] : memref<9232xf32, #tpu.memory_space<vmem>>[vector<16xi32>], vector<16xf32>,
        %parallel_loop3A_201 = tpu.vector_load_idx %arg7[%parallel_loop3A_199] : memref<16384xf32, #tpu.memory_space<vmem>>[vector<16xi32>], vector<16xf32>,
        %parallel_loop3A_202 = arith.mulf %parallel_loop3A_200, %parallel_loop3A_201 : vector<16xf32>
        %parallel_loop3A_203 = arith.cmpi ne, %parallel_loop3A_198, %parallel_loop3A_194 : vector<16xi32>
        tpu.vector_store_idx %arg14[%parallel_loop3A_194], %parallel_loop3A_195 masked %parallel_loop3A_203 {add = true} : memref<16384xf32, #tpu.memory_space<vmem>>[vector<16xi32>], vector<16xf32>, vector<16xi1>
        %parallel_loop3A_204 = arith.addf %parallel_loop3A_195, %parallel_loop3A_202 : vector<16xf32>
        %parallel_loop3A_205 = arith.select %parallel_loop3A_203, %parallel_loop3A_202, %parallel_loop3A_204 : vector<16xi1>, vector<16xf32>
        scf.yield %parallel_loop3A_198, %parallel_loop3A_205 : vector<16xi32>, vector<16xf32>
      } {sc.loop_unroll_factor = 2 : i64, sc.parallel_access}
      tpu.vector_store_idx %arg14[%parallel_loop3A_192#0], %parallel_loop3A_192#1 {add = true} : memref<16384xf32, #tpu.memory_space<vmem>>[vector<16xi32>], vector<16xf32>,
    } else {
    }
    %add3A_56 = arith.constant 96 : i32
    %add3A_57 = arith.addi %add3A_56, %add3A : i32
    %lt3A_58 = arith.constant 255 : i32
    %lt3A_59 = arith.cmpi slt, %add3A_57, %lt3A_58 : i32
    %convert_element_type3A_60 = arith.extui %lt3A_59 : i1 to i32
    %cond3A_61 = arith.constant 0 : i32
    %cond3A_62 = arith.cmpi ne, %convert_element_type3A_60, %cond3A_61 : i32
    scf.if %cond3A_62 {
      %mul3A_189 = arith.constant 9232 : i32
      %mul3A_190 = arith.muli %add3A_57, %mul3A_189 : i32
      %multiple_of3A = tpu.assume_multiple %mul3A_190, 8 : i32
      %dma_start3A = arith.constant 0 : i32
      %dma_start3A_191 = tpu.memref_slice %arg9[%dma_start3A] : memref<9232xi32, #tpu.memory_space<vmem>> -> memref<9232xi32, #tpu.memory_space<vmem>>
      %dma_start3A_192 = tpu.memref_slice %arg3[%multiple_of3A] : memref<2358820xi32, #tpu.memory_space<hbm>> -> memref<9232xi32, #tpu.memory_space<hbm>>
      %dma_start3A_193 = arith.constant 0 : i32
      %dma_start3A_194 = tpu.memref_slice %arg9[%dma_start3A_193] : memref<9232xi32, #tpu.memory_space<vmem>> -> memref<9232xi32, #tpu.memory_space<vmem>>
      %dma_start3A_195 = tpu.memref_slice %arg3[%multiple_of3A] : memref<2358820xi32, #tpu.memory_space<hbm>> -> memref<9232xi32, #tpu.memory_space<hbm>>
      tpu.enqueue_dma source(%dma_start3A_195 : memref<9232xi32, #tpu.memory_space<hbm>>) target(%dma_start3A_194 : memref<9232xi32, #tpu.memory_space<vmem>>) target_semaphore(%arg16 : memref<!tpu.dma_semaphore, #tpu.memory_space<semaphore_mem>>)
      %dma_start3A_196 = arith.constant 0 : i32
      %dma_start3A_197 = tpu.memref_slice %arg11[%dma_start3A_196] : memref<9232xi32, #tpu.memory_space<vmem>> -> memref<9232xi32, #tpu.memory_space<vmem>>
      %dma_start3A_198 = tpu.memref_slice %arg4[%multiple_of3A] : memref<2358820xi32, #tpu.memory_space<hbm>> -> memref<9232xi32, #tpu.memory_space<hbm>>
      %dma_start3A_199 = arith.constant 0 : i32
      %dma_start3A_200 = tpu.memref_slice %arg11[%dma_start3A_199] : memref<9232xi32, #tpu.memory_space<vmem>> -> memref<9232xi32, #tpu.memory_space<vmem>>
      %dma_start3A_201 = tpu.memref_slice %arg4[%multiple_of3A] : memref<2358820xi32, #tpu.memory_space<hbm>> -> memref<9232xi32, #tpu.memory_space<hbm>>
      tpu.enqueue_dma source(%dma_start3A_201 : memref<9232xi32, #tpu.memory_space<hbm>>) target(%dma_start3A_200 : memref<9232xi32, #tpu.memory_space<vmem>>) target_semaphore(%arg16 : memref<!tpu.dma_semaphore, #tpu.memory_space<semaphore_mem>>)
      %dma_start3A_202 = arith.constant 0 : i32
      %dma_start3A_203 = tpu.memref_slice %arg13[%dma_start3A_202] : memref<9232xf32, #tpu.memory_space<vmem>> -> memref<9232xf32, #tpu.memory_space<vmem>>
      %dma_start3A_204 = tpu.memref_slice %arg5[%multiple_of3A] : memref<2358820xf32, #tpu.memory_space<hbm>> -> memref<9232xf32, #tpu.memory_space<hbm>>
      %dma_start3A_205 = arith.constant 0 : i32
      %dma_start3A_206 = tpu.memref_slice %arg13[%dma_start3A_205] : memref<9232xf32, #tpu.memory_space<vmem>> -> memref<9232xf32, #tpu.memory_space<vmem>>
      %dma_start3A_207 = tpu.memref_slice %arg5[%multiple_of3A] : memref<2358820xf32, #tpu.memory_space<hbm>> -> memref<9232xf32, #tpu.memory_space<hbm>>
      tpu.enqueue_dma source(%dma_start3A_207 : memref<9232xf32, #tpu.memory_space<hbm>>) target(%dma_start3A_206 : memref<9232xf32, #tpu.memory_space<vmem>>) target_semaphore(%arg16 : memref<!tpu.dma_semaphore, #tpu.memory_space<semaphore_mem>>)
    } else {
    }
    %add3A_63 = arith.constant 64 : i32
    %add3A_64 = arith.addi %add3A_63, %add3A : i32
    %lt3A_65 = arith.constant 255 : i32
    %lt3A_66 = arith.cmpi slt, %add3A_64, %lt3A_65 : i32
    %convert_element_type3A_67 = arith.extui %lt3A_66 : i1 to i32
    %cond3A_68 = arith.constant 0 : i32
    %cond3A_69 = arith.cmpi ne, %convert_element_type3A_67, %cond3A_68 : i32
    scf.if %cond3A_69 {
      %mul3A_189 = arith.constant 9232 : i32
      %mul3A_190 = arith.muli %add3A_64, %mul3A_189 : i32
      %multiple_of3A = tpu.assume_multiple %mul3A_190, 8 : i32
      %dma_wait3A = arith.constant 0 : i32
      %dma_wait3A_191 = tpu.memref_slice %arg8[%dma_wait3A] : memref<9232xi32, #tpu.memory_space<vmem>> -> memref<9232xi32, #tpu.memory_space<vmem>>
      %dma_wait3A_192 = tpu.memref_slice %arg3[%multiple_of3A] : memref<2358820xi32, #tpu.memory_space<hbm>> -> memref<9232xi32, #tpu.memory_space<hbm>>
      %dma_wait3A_193 = arith.constant 0 : i32
      %dma_wait3A_194 = tpu.memref_slice %arg8[%dma_wait3A_193] : memref<9232xi32, #tpu.memory_space<vmem>> -> memref<9232xi32, #tpu.memory_space<vmem>>
      %dma_wait3A_195 = tpu.memref_slice %arg3[%multiple_of3A] : memref<2358820xi32, #tpu.memory_space<hbm>> -> memref<9232xi32, #tpu.memory_space<hbm>>
      tpu.wait_dma2 semaphore(%arg15 : memref<!tpu.dma_semaphore, #tpu.memory_space<semaphore_mem>>) src(%dma_wait3A_195 : memref<9232xi32, #tpu.memory_space<hbm>>) dst(%dma_wait3A_194 : memref<9232xi32, #tpu.memory_space<vmem>>)
      %dma_wait3A_196 = arith.constant 0 : i32
      %dma_wait3A_197 = tpu.memref_slice %arg10[%dma_wait3A_196] : memref<9232xi32, #tpu.memory_space<vmem>> -> memref<9232xi32, #tpu.memory_space<vmem>>
      %dma_wait3A_198 = tpu.memref_slice %arg4[%multiple_of3A] : memref<2358820xi32, #tpu.memory_space<hbm>> -> memref<9232xi32, #tpu.memory_space<hbm>>
      %dma_wait3A_199 = arith.constant 0 : i32
      %dma_wait3A_200 = tpu.memref_slice %arg10[%dma_wait3A_199] : memref<9232xi32, #tpu.memory_space<vmem>> -> memref<9232xi32, #tpu.memory_space<vmem>>
      %dma_wait3A_201 = tpu.memref_slice %arg4[%multiple_of3A] : memref<2358820xi32, #tpu.memory_space<hbm>> -> memref<9232xi32, #tpu.memory_space<hbm>>
      tpu.wait_dma2 semaphore(%arg15 : memref<!tpu.dma_semaphore, #tpu.memory_space<semaphore_mem>>) src(%dma_wait3A_201 : memref<9232xi32, #tpu.memory_space<hbm>>) dst(%dma_wait3A_200 : memref<9232xi32, #tpu.memory_space<vmem>>)
      %dma_wait3A_202 = arith.constant 0 : i32
      %dma_wait3A_203 = tpu.memref_slice %arg12[%dma_wait3A_202] : memref<9232xf32, #tpu.memory_space<vmem>> -> memref<9232xf32, #tpu.memory_space<vmem>>
      %dma_wait3A_204 = tpu.memref_slice %arg5[%multiple_of3A] : memref<2358820xf32, #tpu.memory_space<hbm>> -> memref<9232xf32, #tpu.memory_space<hbm>>
      %dma_wait3A_205 = arith.constant 0 : i32
      %dma_wait3A_206 = tpu.memref_slice %arg12[%dma_wait3A_205] : memref<9232xf32, #tpu.memory_space<vmem>> -> memref<9232xf32, #tpu.memory_space<vmem>>
      %dma_wait3A_207 = tpu.memref_slice %arg5[%multiple_of3A] : memref<2358820xf32, #tpu.memory_space<hbm>> -> memref<9232xf32, #tpu.memory_space<hbm>>
      tpu.wait_dma2 semaphore(%arg15 : memref<!tpu.dma_semaphore, #tpu.memory_space<semaphore_mem>>) src(%dma_wait3A_207 : memref<9232xf32, #tpu.memory_space<hbm>>) dst(%dma_wait3A_206 : memref<9232xf32, #tpu.memory_space<vmem>>)
    } else {
    }
    %add3A_70 = arith.constant 64 : i32
    %add3A_71 = arith.addi %add3A_70, %add3A : i32
    %lt3A_72 = arith.constant 255 : i32
    %lt3A_73 = arith.cmpi slt, %add3A_71, %lt3A_72 : i32
    %convert_element_type3A_74 = arith.extui %lt3A_73 : i1 to i32
    %cond3A_75 = arith.constant 0 : i32
    %cond3A_76 = arith.cmpi ne, %convert_element_type3A_74, %cond3A_75 : i32
    scf.if %cond3A_76 {
      %gather3A = tpu.vector_load_idx %arg8[%mul3A_13] : memref<9232xi32, #tpu.memory_space<vmem>>[vector<16xi32>], vector<16xi32>,
      %broadcast_in_dim3A = arith.constant 0.000000e+00 : f32
      %broadcast_in_dim3A_189 = vector.broadcast %broadcast_in_dim3A : f32 to vector<16xf32>
      %parallel_loop3A = arith.constant 0 : i32
      %parallel_loop3A_190 = arith.constant 577 : i32
      %parallel_loop3A_191 = arith.constant 1 : i32
      %parallel_loop3A_192:2 = scf.for %parallel_loop3A_193 = %parallel_loop3A to %parallel_loop3A_190 step %parallel_loop3A_191 iter_args(%parallel_loop3A_194 = %gather3A, %parallel_loop3A_195 = %broadcast_in_dim3A_189) -> (vector<16xi32>, vector<16xf32>)  : i32 {
        %parallel_loop3A_196 = vector.broadcast %parallel_loop3A_193 : i32 to vector<16xi32>
        %parallel_loop3A_197 = arith.addi %mul3A_13, %parallel_loop3A_196 : vector<16xi32>
        %parallel_loop3A_198 = tpu.vector_load_idx %arg8[%parallel_loop3A_197] : memref<9232xi32, #tpu.memory_space<vmem>>[vector<16xi32>], vector<16xi32>,
        %parallel_loop3A_199 = tpu.vector_load_idx %arg10[%parallel_loop3A_197] : memref<9232xi32, #tpu.memory_space<vmem>>[vector<16xi32>], vector<16xi32>,
        %parallel_loop3A_200 = tpu.vector_load_idx %arg12[%parallel_loop3A_197] : memref<9232xf32, #tpu.memory_space<vmem>>[vector<16xi32>], vector<16xf32>,
        %parallel_loop3A_201 = tpu.vector_load_idx %arg7[%parallel_loop3A_199] : memref<16384xf32, #tpu.memory_space<vmem>>[vector<16xi32>], vector<16xf32>,
        %parallel_loop3A_202 = arith.mulf %parallel_loop3A_200, %parallel_loop3A_201 : vector<16xf32>
        %parallel_loop3A_203 = arith.cmpi ne, %parallel_loop3A_198, %parallel_loop3A_194 : vector<16xi32>
        tpu.vector_store_idx %arg14[%parallel_loop3A_194], %parallel_loop3A_195 masked %parallel_loop3A_203 {add = true} : memref<16384xf32, #tpu.memory_space<vmem>>[vector<16xi32>], vector<16xf32>, vector<16xi1>
        %parallel_loop3A_204 = arith.addf %parallel_loop3A_195, %parallel_loop3A_202 : vector<16xf32>
        %parallel_loop3A_205 = arith.select %parallel_loop3A_203, %parallel_loop3A_202, %parallel_loop3A_204 : vector<16xi1>, vector<16xf32>
        scf.yield %parallel_loop3A_198, %parallel_loop3A_205 : vector<16xi32>, vector<16xf32>
      } {sc.loop_unroll_factor = 2 : i64, sc.parallel_access}
      tpu.vector_store_idx %arg14[%parallel_loop3A_192#0], %parallel_loop3A_192#1 {add = true} : memref<16384xf32, #tpu.memory_space<vmem>>[vector<16xi32>], vector<16xf32>,
    } else {
    }
    %add3A_77 = arith.constant 128 : i32
    %add3A_78 = arith.addi %add3A_77, %add3A : i32
    %lt3A_79 = arith.constant 255 : i32
    %lt3A_80 = arith.cmpi slt, %add3A_78, %lt3A_79 : i32
    %convert_element_type3A_81 = arith.extui %lt3A_80 : i1 to i32
    %cond3A_82 = arith.constant 0 : i32
    %cond3A_83 = arith.cmpi ne, %convert_element_type3A_81, %cond3A_82 : i32
    scf.if %cond3A_83 {
      %mul3A_189 = arith.constant 9232 : i32
      %mul3A_190 = arith.muli %add3A_78, %mul3A_189 : i32
      %multiple_of3A = tpu.assume_multiple %mul3A_190, 8 : i32
      %dma_start3A = arith.constant 0 : i32
      %dma_start3A_191 = tpu.memref_slice %arg8[%dma_start3A] : memref<9232xi32, #tpu.memory_space<vmem>> -> memref<9232xi32, #tpu.memory_space<vmem>>
      %dma_start3A_192 = tpu.memref_slice %arg3[%multiple_of3A] : memref<2358820xi32, #tpu.memory_space<hbm>> -> memref<9232xi32, #tpu.memory_space<hbm>>
      %dma_start3A_193 = arith.constant 0 : i32
      %dma_start3A_194 = tpu.memref_slice %arg8[%dma_start3A_193] : memref<9232xi32, #tpu.memory_space<vmem>> -> memref<9232xi32, #tpu.memory_space<vmem>>
      %dma_start3A_195 = tpu.memref_slice %arg3[%multiple_of3A] : memref<2358820xi32, #tpu.memory_space<hbm>> -> memref<9232xi32, #tpu.memory_space<hbm>>
      tpu.enqueue_dma source(%dma_start3A_195 : memref<9232xi32, #tpu.memory_space<hbm>>) target(%dma_start3A_194 : memref<9232xi32, #tpu.memory_space<vmem>>) target_semaphore(%arg15 : memref<!tpu.dma_semaphore, #tpu.memory_space<semaphore_mem>>)
      %dma_start3A_196 = arith.constant 0 : i32
      %dma_start3A_197 = tpu.memref_slice %arg10[%dma_start3A_196] : memref<9232xi32, #tpu.memory_space<vmem>> -> memref<9232xi32, #tpu.memory_space<vmem>>
      %dma_start3A_198 = tpu.memref_slice %arg4[%multiple_of3A] : memref<2358820xi32, #tpu.memory_space<hbm>> -> memref<9232xi32, #tpu.memory_space<hbm>>
      %dma_start3A_199 = arith.constant 0 : i32
      %dma_start3A_200 = tpu.memref_slice %arg10[%dma_start3A_199] : memref<9232xi32, #tpu.memory_space<vmem>> -> memref<9232xi32, #tpu.memory_space<vmem>>
      %dma_start3A_201 = tpu.memref_slice %arg4[%multiple_of3A] : memref<2358820xi32, #tpu.memory_space<hbm>> -> memref<9232xi32, #tpu.memory_space<hbm>>
      tpu.enqueue_dma source(%dma_start3A_201 : memref<9232xi32, #tpu.memory_space<hbm>>) target(%dma_start3A_200 : memref<9232xi32, #tpu.memory_space<vmem>>) target_semaphore(%arg15 : memref<!tpu.dma_semaphore, #tpu.memory_space<semaphore_mem>>)
      %dma_start3A_202 = arith.constant 0 : i32
      %dma_start3A_203 = tpu.memref_slice %arg12[%dma_start3A_202] : memref<9232xf32, #tpu.memory_space<vmem>> -> memref<9232xf32, #tpu.memory_space<vmem>>
      %dma_start3A_204 = tpu.memref_slice %arg5[%multiple_of3A] : memref<2358820xf32, #tpu.memory_space<hbm>> -> memref<9232xf32, #tpu.memory_space<hbm>>
      %dma_start3A_205 = arith.constant 0 : i32
      %dma_start3A_206 = tpu.memref_slice %arg12[%dma_start3A_205] : memref<9232xf32, #tpu.memory_space<vmem>> -> memref<9232xf32, #tpu.memory_space<vmem>>
      %dma_start3A_207 = tpu.memref_slice %arg5[%multiple_of3A] : memref<2358820xf32, #tpu.memory_space<hbm>> -> memref<9232xf32, #tpu.memory_space<hbm>>
      tpu.enqueue_dma source(%dma_start3A_207 : memref<9232xf32, #tpu.memory_space<hbm>>) target(%dma_start3A_206 : memref<9232xf32, #tpu.memory_space<vmem>>) target_semaphore(%arg15 : memref<!tpu.dma_semaphore, #tpu.memory_space<semaphore_mem>>)
    } else {
    }
    %add3A_84 = arith.constant 96 : i32
    %add3A_85 = arith.addi %add3A_84, %add3A : i32
    %lt3A_86 = arith.constant 255 : i32
    %lt3A_87 = arith.cmpi slt, %add3A_85, %lt3A_86 : i32
    %convert_element_type3A_88 = arith.extui %lt3A_87 : i1 to i32
    %cond3A_89 = arith.constant 0 : i32
    %cond3A_90 = arith.cmpi ne, %convert_element_type3A_88, %cond3A_89 : i32
    scf.if %cond3A_90 {
      %mul3A_189 = arith.constant 9232 : i32
      %mul3A_190 = arith.muli %add3A_85, %mul3A_189 : i32
      %multiple_of3A = tpu.assume_multiple %mul3A_190, 8 : i32
      %dma_wait3A = arith.constant 0 : i32
      %dma_wait3A_191 = tpu.memref_slice %arg9[%dma_wait3A] : memref<9232xi32, #tpu.memory_space<vmem>> -> memref<9232xi32, #tpu.memory_space<vmem>>
      %dma_wait3A_192 = tpu.memref_slice %arg3[%multiple_of3A] : memref<2358820xi32, #tpu.memory_space<hbm>> -> memref<9232xi32, #tpu.memory_space<hbm>>
      %dma_wait3A_193 = arith.constant 0 : i32
      %dma_wait3A_194 = tpu.memref_slice %arg9[%dma_wait3A_193] : memref<9232xi32, #tpu.memory_space<vmem>> -> memref<9232xi32, #tpu.memory_space<vmem>>
      %dma_wait3A_195 = tpu.memref_slice %arg3[%multiple_of3A] : memref<2358820xi32, #tpu.memory_space<hbm>> -> memref<9232xi32, #tpu.memory_space<hbm>>
      tpu.wait_dma2 semaphore(%arg16 : memref<!tpu.dma_semaphore, #tpu.memory_space<semaphore_mem>>) src(%dma_wait3A_195 : memref<9232xi32, #tpu.memory_space<hbm>>) dst(%dma_wait3A_194 : memref<9232xi32, #tpu.memory_space<vmem>>)
      %dma_wait3A_196 = arith.constant 0 : i32
      %dma_wait3A_197 = tpu.memref_slice %arg11[%dma_wait3A_196] : memref<9232xi32, #tpu.memory_space<vmem>> -> memref<9232xi32, #tpu.memory_space<vmem>>
      %dma_wait3A_198 = tpu.memref_slice %arg4[%multiple_of3A] : memref<2358820xi32, #tpu.memory_space<hbm>> -> memref<9232xi32, #tpu.memory_space<hbm>>
      %dma_wait3A_199 = arith.constant 0 : i32
      %dma_wait3A_200 = tpu.memref_slice %arg11[%dma_wait3A_199] : memref<9232xi32, #tpu.memory_space<vmem>> -> memref<9232xi32, #tpu.memory_space<vmem>>
      %dma_wait3A_201 = tpu.memref_slice %arg4[%multiple_of3A] : memref<2358820xi32, #tpu.memory_space<hbm>> -> memref<9232xi32, #tpu.memory_space<hbm>>
      tpu.wait_dma2 semaphore(%arg16 : memref<!tpu.dma_semaphore, #tpu.memory_space<semaphore_mem>>) src(%dma_wait3A_201 : memref<9232xi32, #tpu.memory_space<hbm>>) dst(%dma_wait3A_200 : memref<9232xi32, #tpu.memory_space<vmem>>)
      %dma_wait3A_202 = arith.constant 0 : i32
      %dma_wait3A_203 = tpu.memref_slice %arg13[%dma_wait3A_202] : memref<9232xf32, #tpu.memory_space<vmem>> -> memref<9232xf32, #tpu.memory_space<vmem>>
      %dma_wait3A_204 = tpu.memref_slice %arg5[%multiple_of3A] : memref<2358820xf32, #tpu.memory_space<hbm>> -> memref<9232xf32, #tpu.memory_space<hbm>>
      %dma_wait3A_205 = arith.constant 0 : i32
      %dma_wait3A_206 = tpu.memref_slice %arg13[%dma_wait3A_205] : memref<9232xf32, #tpu.memory_space<vmem>> -> memref<9232xf32, #tpu.memory_space<vmem>>
      %dma_wait3A_207 = tpu.memref_slice %arg5[%multiple_of3A] : memref<2358820xf32, #tpu.memory_space<hbm>> -> memref<9232xf32, #tpu.memory_space<hbm>>
      tpu.wait_dma2 semaphore(%arg16 : memref<!tpu.dma_semaphore, #tpu.memory_space<semaphore_mem>>) src(%dma_wait3A_207 : memref<9232xf32, #tpu.memory_space<hbm>>) dst(%dma_wait3A_206 : memref<9232xf32, #tpu.memory_space<vmem>>)
    } else {
    }
    %add3A_91 = arith.constant 96 : i32
    %add3A_92 = arith.addi %add3A_91, %add3A : i32
    %lt3A_93 = arith.constant 255 : i32
    %lt3A_94 = arith.cmpi slt, %add3A_92, %lt3A_93 : i32
    %convert_element_type3A_95 = arith.extui %lt3A_94 : i1 to i32
    %cond3A_96 = arith.constant 0 : i32
    %cond3A_97 = arith.cmpi ne, %convert_element_type3A_95, %cond3A_96 : i32
    scf.if %cond3A_97 {
      %gather3A = tpu.vector_load_idx %arg9[%mul3A_13] : memref<9232xi32, #tpu.memory_space<vmem>>[vector<16xi32>], vector<16xi32>,
      %broadcast_in_dim3A = arith.constant 0.000000e+00 : f32
      %broadcast_in_dim3A_189 = vector.broadcast %broadcast_in_dim3A : f32 to vector<16xf32>
      %parallel_loop3A = arith.constant 0 : i32
      %parallel_loop3A_190 = arith.constant 577 : i32
      %parallel_loop3A_191 = arith.constant 1 : i32
      %parallel_loop3A_192:2 = scf.for %parallel_loop3A_193 = %parallel_loop3A to %parallel_loop3A_190 step %parallel_loop3A_191 iter_args(%parallel_loop3A_194 = %gather3A, %parallel_loop3A_195 = %broadcast_in_dim3A_189) -> (vector<16xi32>, vector<16xf32>)  : i32 {
        %parallel_loop3A_196 = vector.broadcast %parallel_loop3A_193 : i32 to vector<16xi32>
        %parallel_loop3A_197 = arith.addi %mul3A_13, %parallel_loop3A_196 : vector<16xi32>
        %parallel_loop3A_198 = tpu.vector_load_idx %arg9[%parallel_loop3A_197] : memref<9232xi32, #tpu.memory_space<vmem>>[vector<16xi32>], vector<16xi32>,
        %parallel_loop3A_199 = tpu.vector_load_idx %arg11[%parallel_loop3A_197] : memref<9232xi32, #tpu.memory_space<vmem>>[vector<16xi32>], vector<16xi32>,
        %parallel_loop3A_200 = tpu.vector_load_idx %arg13[%parallel_loop3A_197] : memref<9232xf32, #tpu.memory_space<vmem>>[vector<16xi32>], vector<16xf32>,
        %parallel_loop3A_201 = tpu.vector_load_idx %arg7[%parallel_loop3A_199] : memref<16384xf32, #tpu.memory_space<vmem>>[vector<16xi32>], vector<16xf32>,
        %parallel_loop3A_202 = arith.mulf %parallel_loop3A_200, %parallel_loop3A_201 : vector<16xf32>
        %parallel_loop3A_203 = arith.cmpi ne, %parallel_loop3A_198, %parallel_loop3A_194 : vector<16xi32>
        tpu.vector_store_idx %arg14[%parallel_loop3A_194], %parallel_loop3A_195 masked %parallel_loop3A_203 {add = true} : memref<16384xf32, #tpu.memory_space<vmem>>[vector<16xi32>], vector<16xf32>, vector<16xi1>
        %parallel_loop3A_204 = arith.addf %parallel_loop3A_195, %parallel_loop3A_202 : vector<16xf32>
        %parallel_loop3A_205 = arith.select %parallel_loop3A_203, %parallel_loop3A_202, %parallel_loop3A_204 : vector<16xi1>, vector<16xf32>
        scf.yield %parallel_loop3A_198, %parallel_loop3A_205 : vector<16xi32>, vector<16xf32>
      } {sc.loop_unroll_factor = 2 : i64, sc.parallel_access}
      tpu.vector_store_idx %arg14[%parallel_loop3A_192#0], %parallel_loop3A_192#1 {add = true} : memref<16384xf32, #tpu.memory_space<vmem>>[vector<16xi32>], vector<16xf32>,
    } else {
    }
    %add3A_98 = arith.constant 160 : i32
    %add3A_99 = arith.addi %add3A_98, %add3A : i32
    %lt3A_100 = arith.constant 255 : i32
    %lt3A_101 = arith.cmpi slt, %add3A_99, %lt3A_100 : i32
    %convert_element_type3A_102 = arith.extui %lt3A_101 : i1 to i32
    %cond3A_103 = arith.constant 0 : i32
    %cond3A_104 = arith.cmpi ne, %convert_element_type3A_102, %cond3A_103 : i32
    scf.if %cond3A_104 {
      %mul3A_189 = arith.constant 9232 : i32
      %mul3A_190 = arith.muli %add3A_99, %mul3A_189 : i32
      %multiple_of3A = tpu.assume_multiple %mul3A_190, 8 : i32
      %dma_start3A = arith.constant 0 : i32
      %dma_start3A_191 = tpu.memref_slice %arg9[%dma_start3A] : memref<9232xi32, #tpu.memory_space<vmem>> -> memref<9232xi32, #tpu.memory_space<vmem>>
      %dma_start3A_192 = tpu.memref_slice %arg3[%multiple_of3A] : memref<2358820xi32, #tpu.memory_space<hbm>> -> memref<9232xi32, #tpu.memory_space<hbm>>
      %dma_start3A_193 = arith.constant 0 : i32
      %dma_start3A_194 = tpu.memref_slice %arg9[%dma_start3A_193] : memref<9232xi32, #tpu.memory_space<vmem>> -> memref<9232xi32, #tpu.memory_space<vmem>>
      %dma_start3A_195 = tpu.memref_slice %arg3[%multiple_of3A] : memref<2358820xi32, #tpu.memory_space<hbm>> -> memref<9232xi32, #tpu.memory_space<hbm>>
      tpu.enqueue_dma source(%dma_start3A_195 : memref<9232xi32, #tpu.memory_space<hbm>>) target(%dma_start3A_194 : memref<9232xi32, #tpu.memory_space<vmem>>) target_semaphore(%arg16 : memref<!tpu.dma_semaphore, #tpu.memory_space<semaphore_mem>>)
      %dma_start3A_196 = arith.constant 0 : i32
      %dma_start3A_197 = tpu.memref_slice %arg11[%dma_start3A_196] : memref<9232xi32, #tpu.memory_space<vmem>> -> memref<9232xi32, #tpu.memory_space<vmem>>
      %dma_start3A_198 = tpu.memref_slice %arg4[%multiple_of3A] : memref<2358820xi32, #tpu.memory_space<hbm>> -> memref<9232xi32, #tpu.memory_space<hbm>>
      %dma_start3A_199 = arith.constant 0 : i32
      %dma_start3A_200 = tpu.memref_slice %arg11[%dma_start3A_199] : memref<9232xi32, #tpu.memory_space<vmem>> -> memref<9232xi32, #tpu.memory_space<vmem>>
      %dma_start3A_201 = tpu.memref_slice %arg4[%multiple_of3A] : memref<2358820xi32, #tpu.memory_space<hbm>> -> memref<9232xi32, #tpu.memory_space<hbm>>
      tpu.enqueue_dma source(%dma_start3A_201 : memref<9232xi32, #tpu.memory_space<hbm>>) target(%dma_start3A_200 : memref<9232xi32, #tpu.memory_space<vmem>>) target_semaphore(%arg16 : memref<!tpu.dma_semaphore, #tpu.memory_space<semaphore_mem>>)
      %dma_start3A_202 = arith.constant 0 : i32
      %dma_start3A_203 = tpu.memref_slice %arg13[%dma_start3A_202] : memref<9232xf32, #tpu.memory_space<vmem>> -> memref<9232xf32, #tpu.memory_space<vmem>>
      %dma_start3A_204 = tpu.memref_slice %arg5[%multiple_of3A] : memref<2358820xf32, #tpu.memory_space<hbm>> -> memref<9232xf32, #tpu.memory_space<hbm>>
      %dma_start3A_205 = arith.constant 0 : i32
      %dma_start3A_206 = tpu.memref_slice %arg13[%dma_start3A_205] : memref<9232xf32, #tpu.memory_space<vmem>> -> memref<9232xf32, #tpu.memory_space<vmem>>
      %dma_start3A_207 = tpu.memref_slice %arg5[%multiple_of3A] : memref<2358820xf32, #tpu.memory_space<hbm>> -> memref<9232xf32, #tpu.memory_space<hbm>>
      tpu.enqueue_dma source(%dma_start3A_207 : memref<9232xf32, #tpu.memory_space<hbm>>) target(%dma_start3A_206 : memref<9232xf32, #tpu.memory_space<vmem>>) target_semaphore(%arg16 : memref<!tpu.dma_semaphore, #tpu.memory_space<semaphore_mem>>)
    } else {
    }
    %add3A_105 = arith.constant 128 : i32
    %add3A_106 = arith.addi %add3A_105, %add3A : i32
    %lt3A_107 = arith.constant 255 : i32
    %lt3A_108 = arith.cmpi slt, %add3A_106, %lt3A_107 : i32
    %convert_element_type3A_109 = arith.extui %lt3A_108 : i1 to i32
    %cond3A_110 = arith.constant 0 : i32
    %cond3A_111 = arith.cmpi ne, %convert_element_type3A_109, %cond3A_110 : i32
    scf.if %cond3A_111 {
      %mul3A_189 = arith.constant 9232 : i32
      %mul3A_190 = arith.muli %add3A_106, %mul3A_189 : i32
      %multiple_of3A = tpu.assume_multiple %mul3A_190, 8 : i32
      %dma_wait3A = arith.constant 0 : i32
      %dma_wait3A_191 = tpu.memref_slice %arg8[%dma_wait3A] : memref<9232xi32, #tpu.memory_space<vmem>> -> memref<9232xi32, #tpu.memory_space<vmem>>
      %dma_wait3A_192 = tpu.memref_slice %arg3[%multiple_of3A] : memref<2358820xi32, #tpu.memory_space<hbm>> -> memref<9232xi32, #tpu.memory_space<hbm>>
      %dma_wait3A_193 = arith.constant 0 : i32
      %dma_wait3A_194 = tpu.memref_slice %arg8[%dma_wait3A_193] : memref<9232xi32, #tpu.memory_space<vmem>> -> memref<9232xi32, #tpu.memory_space<vmem>>
      %dma_wait3A_195 = tpu.memref_slice %arg3[%multiple_of3A] : memref<2358820xi32, #tpu.memory_space<hbm>> -> memref<9232xi32, #tpu.memory_space<hbm>>
      tpu.wait_dma2 semaphore(%arg15 : memref<!tpu.dma_semaphore, #tpu.memory_space<semaphore_mem>>) src(%dma_wait3A_195 : memref<9232xi32, #tpu.memory_space<hbm>>) dst(%dma_wait3A_194 : memref<9232xi32, #tpu.memory_space<vmem>>)
      %dma_wait3A_196 = arith.constant 0 : i32
      %dma_wait3A_197 = tpu.memref_slice %arg10[%dma_wait3A_196] : memref<9232xi32, #tpu.memory_space<vmem>> -> memref<9232xi32, #tpu.memory_space<vmem>>
      %dma_wait3A_198 = tpu.memref_slice %arg4[%multiple_of3A] : memref<2358820xi32, #tpu.memory_space<hbm>> -> memref<9232xi32, #tpu.memory_space<hbm>>
      %dma_wait3A_199 = arith.constant 0 : i32
      %dma_wait3A_200 = tpu.memref_slice %arg10[%dma_wait3A_199] : memref<9232xi32, #tpu.memory_space<vmem>> -> memref<9232xi32, #tpu.memory_space<vmem>>
      %dma_wait3A_201 = tpu.memref_slice %arg4[%multiple_of3A] : memref<2358820xi32, #tpu.memory_space<hbm>> -> memref<9232xi32, #tpu.memory_space<hbm>>
      tpu.wait_dma2 semaphore(%arg15 : memref<!tpu.dma_semaphore, #tpu.memory_space<semaphore_mem>>) src(%dma_wait3A_201 : memref<9232xi32, #tpu.memory_space<hbm>>) dst(%dma_wait3A_200 : memref<9232xi32, #tpu.memory_space<vmem>>)
      %dma_wait3A_202 = arith.constant 0 : i32
      %dma_wait3A_203 = tpu.memref_slice %arg12[%dma_wait3A_202] : memref<9232xf32, #tpu.memory_space<vmem>> -> memref<9232xf32, #tpu.memory_space<vmem>>
      %dma_wait3A_204 = tpu.memref_slice %arg5[%multiple_of3A] : memref<2358820xf32, #tpu.memory_space<hbm>> -> memref<9232xf32, #tpu.memory_space<hbm>>
      %dma_wait3A_205 = arith.constant 0 : i32
      %dma_wait3A_206 = tpu.memref_slice %arg12[%dma_wait3A_205] : memref<9232xf32, #tpu.memory_space<vmem>> -> memref<9232xf32, #tpu.memory_space<vmem>>
      %dma_wait3A_207 = tpu.memref_slice %arg5[%multiple_of3A] : memref<2358820xf32, #tpu.memory_space<hbm>> -> memref<9232xf32, #tpu.memory_space<hbm>>
      tpu.wait_dma2 semaphore(%arg15 : memref<!tpu.dma_semaphore, #tpu.memory_space<semaphore_mem>>) src(%dma_wait3A_207 : memref<9232xf32, #tpu.memory_space<hbm>>) dst(%dma_wait3A_206 : memref<9232xf32, #tpu.memory_space<vmem>>)
    } else {
    }
    %add3A_112 = arith.constant 128 : i32
    %add3A_113 = arith.addi %add3A_112, %add3A : i32
    %lt3A_114 = arith.constant 255 : i32
    %lt3A_115 = arith.cmpi slt, %add3A_113, %lt3A_114 : i32
    %convert_element_type3A_116 = arith.extui %lt3A_115 : i1 to i32
    %cond3A_117 = arith.constant 0 : i32
    %cond3A_118 = arith.cmpi ne, %convert_element_type3A_116, %cond3A_117 : i32
    scf.if %cond3A_118 {
      %gather3A = tpu.vector_load_idx %arg8[%mul3A_13] : memref<9232xi32, #tpu.memory_space<vmem>>[vector<16xi32>], vector<16xi32>,
      %broadcast_in_dim3A = arith.constant 0.000000e+00 : f32
      %broadcast_in_dim3A_189 = vector.broadcast %broadcast_in_dim3A : f32 to vector<16xf32>
      %parallel_loop3A = arith.constant 0 : i32
      %parallel_loop3A_190 = arith.constant 577 : i32
      %parallel_loop3A_191 = arith.constant 1 : i32
      %parallel_loop3A_192:2 = scf.for %parallel_loop3A_193 = %parallel_loop3A to %parallel_loop3A_190 step %parallel_loop3A_191 iter_args(%parallel_loop3A_194 = %gather3A, %parallel_loop3A_195 = %broadcast_in_dim3A_189) -> (vector<16xi32>, vector<16xf32>)  : i32 {
        %parallel_loop3A_196 = vector.broadcast %parallel_loop3A_193 : i32 to vector<16xi32>
        %parallel_loop3A_197 = arith.addi %mul3A_13, %parallel_loop3A_196 : vector<16xi32>
        %parallel_loop3A_198 = tpu.vector_load_idx %arg8[%parallel_loop3A_197] : memref<9232xi32, #tpu.memory_space<vmem>>[vector<16xi32>], vector<16xi32>,
        %parallel_loop3A_199 = tpu.vector_load_idx %arg10[%parallel_loop3A_197] : memref<9232xi32, #tpu.memory_space<vmem>>[vector<16xi32>], vector<16xi32>,
        %parallel_loop3A_200 = tpu.vector_load_idx %arg12[%parallel_loop3A_197] : memref<9232xf32, #tpu.memory_space<vmem>>[vector<16xi32>], vector<16xf32>,
        %parallel_loop3A_201 = tpu.vector_load_idx %arg7[%parallel_loop3A_199] : memref<16384xf32, #tpu.memory_space<vmem>>[vector<16xi32>], vector<16xf32>,
        %parallel_loop3A_202 = arith.mulf %parallel_loop3A_200, %parallel_loop3A_201 : vector<16xf32>
        %parallel_loop3A_203 = arith.cmpi ne, %parallel_loop3A_198, %parallel_loop3A_194 : vector<16xi32>
        tpu.vector_store_idx %arg14[%parallel_loop3A_194], %parallel_loop3A_195 masked %parallel_loop3A_203 {add = true} : memref<16384xf32, #tpu.memory_space<vmem>>[vector<16xi32>], vector<16xf32>, vector<16xi1>
        %parallel_loop3A_204 = arith.addf %parallel_loop3A_195, %parallel_loop3A_202 : vector<16xf32>
        %parallel_loop3A_205 = arith.select %parallel_loop3A_203, %parallel_loop3A_202, %parallel_loop3A_204 : vector<16xi1>, vector<16xf32>
        scf.yield %parallel_loop3A_198, %parallel_loop3A_205 : vector<16xi32>, vector<16xf32>
      } {sc.loop_unroll_factor = 2 : i64, sc.parallel_access}
      tpu.vector_store_idx %arg14[%parallel_loop3A_192#0], %parallel_loop3A_192#1 {add = true} : memref<16384xf32, #tpu.memory_space<vmem>>[vector<16xi32>], vector<16xf32>,
    } else {
    }
    %add3A_119 = arith.constant 192 : i32
    %add3A_120 = arith.addi %add3A_119, %add3A : i32
    %lt3A_121 = arith.constant 255 : i32
    %lt3A_122 = arith.cmpi slt, %add3A_120, %lt3A_121 : i32
    %convert_element_type3A_123 = arith.extui %lt3A_122 : i1 to i32
    %cond3A_124 = arith.constant 0 : i32
    %cond3A_125 = arith.cmpi ne, %convert_element_type3A_123, %cond3A_124 : i32
    scf.if %cond3A_125 {
      %mul3A_189 = arith.constant 9232 : i32
      %mul3A_190 = arith.muli %add3A_120, %mul3A_189 : i32
      %multiple_of3A = tpu.assume_multiple %mul3A_190, 8 : i32
      %dma_start3A = arith.constant 0 : i32
      %dma_start3A_191 = tpu.memref_slice %arg8[%dma_start3A] : memref<9232xi32, #tpu.memory_space<vmem>> -> memref<9232xi32, #tpu.memory_space<vmem>>
      %dma_start3A_192 = tpu.memref_slice %arg3[%multiple_of3A] : memref<2358820xi32, #tpu.memory_space<hbm>> -> memref<9232xi32, #tpu.memory_space<hbm>>
      %dma_start3A_193 = arith.constant 0 : i32
      %dma_start3A_194 = tpu.memref_slice %arg8[%dma_start3A_193] : memref<9232xi32, #tpu.memory_space<vmem>> -> memref<9232xi32, #tpu.memory_space<vmem>>
      %dma_start3A_195 = tpu.memref_slice %arg3[%multiple_of3A] : memref<2358820xi32, #tpu.memory_space<hbm>> -> memref<9232xi32, #tpu.memory_space<hbm>>
      tpu.enqueue_dma source(%dma_start3A_195 : memref<9232xi32, #tpu.memory_space<hbm>>) target(%dma_start3A_194 : memref<9232xi32, #tpu.memory_space<vmem>>) target_semaphore(%arg15 : memref<!tpu.dma_semaphore, #tpu.memory_space<semaphore_mem>>)
      %dma_start3A_196 = arith.constant 0 : i32
      %dma_start3A_197 = tpu.memref_slice %arg10[%dma_start3A_196] : memref<9232xi32, #tpu.memory_space<vmem>> -> memref<9232xi32, #tpu.memory_space<vmem>>
      %dma_start3A_198 = tpu.memref_slice %arg4[%multiple_of3A] : memref<2358820xi32, #tpu.memory_space<hbm>> -> memref<9232xi32, #tpu.memory_space<hbm>>
      %dma_start3A_199 = arith.constant 0 : i32
      %dma_start3A_200 = tpu.memref_slice %arg10[%dma_start3A_199] : memref<9232xi32, #tpu.memory_space<vmem>> -> memref<9232xi32, #tpu.memory_space<vmem>>
      %dma_start3A_201 = tpu.memref_slice %arg4[%multiple_of3A] : memref<2358820xi32, #tpu.memory_space<hbm>> -> memref<9232xi32, #tpu.memory_space<hbm>>
      tpu.enqueue_dma source(%dma_start3A_201 : memref<9232xi32, #tpu.memory_space<hbm>>) target(%dma_start3A_200 : memref<9232xi32, #tpu.memory_space<vmem>>) target_semaphore(%arg15 : memref<!tpu.dma_semaphore, #tpu.memory_space<semaphore_mem>>)
      %dma_start3A_202 = arith.constant 0 : i32
      %dma_start3A_203 = tpu.memref_slice %arg12[%dma_start3A_202] : memref<9232xf32, #tpu.memory_space<vmem>> -> memref<9232xf32, #tpu.memory_space<vmem>>
      %dma_start3A_204 = tpu.memref_slice %arg5[%multiple_of3A] : memref<2358820xf32, #tpu.memory_space<hbm>> -> memref<9232xf32, #tpu.memory_space<hbm>>
      %dma_start3A_205 = arith.constant 0 : i32
      %dma_start3A_206 = tpu.memref_slice %arg12[%dma_start3A_205] : memref<9232xf32, #tpu.memory_space<vmem>> -> memref<9232xf32, #tpu.memory_space<vmem>>
      %dma_start3A_207 = tpu.memref_slice %arg5[%multiple_of3A] : memref<2358820xf32, #tpu.memory_space<hbm>> -> memref<9232xf32, #tpu.memory_space<hbm>>
      tpu.enqueue_dma source(%dma_start3A_207 : memref<9232xf32, #tpu.memory_space<hbm>>) target(%dma_start3A_206 : memref<9232xf32, #tpu.memory_space<vmem>>) target_semaphore(%arg15 : memref<!tpu.dma_semaphore, #tpu.memory_space<semaphore_mem>>)
    } else {
    }
    %add3A_126 = arith.constant 160 : i32
    %add3A_127 = arith.addi %add3A_126, %add3A : i32
    %lt3A_128 = arith.constant 255 : i32
    %lt3A_129 = arith.cmpi slt, %add3A_127, %lt3A_128 : i32
    %convert_element_type3A_130 = arith.extui %lt3A_129 : i1 to i32
    %cond3A_131 = arith.constant 0 : i32
    %cond3A_132 = arith.cmpi ne, %convert_element_type3A_130, %cond3A_131 : i32
    scf.if %cond3A_132 {
      %mul3A_189 = arith.constant 9232 : i32
      %mul3A_190 = arith.muli %add3A_127, %mul3A_189 : i32
      %multiple_of3A = tpu.assume_multiple %mul3A_190, 8 : i32
      %dma_wait3A = arith.constant 0 : i32
      %dma_wait3A_191 = tpu.memref_slice %arg9[%dma_wait3A] : memref<9232xi32, #tpu.memory_space<vmem>> -> memref<9232xi32, #tpu.memory_space<vmem>>
      %dma_wait3A_192 = tpu.memref_slice %arg3[%multiple_of3A] : memref<2358820xi32, #tpu.memory_space<hbm>> -> memref<9232xi32, #tpu.memory_space<hbm>>
      %dma_wait3A_193 = arith.constant 0 : i32
      %dma_wait3A_194 = tpu.memref_slice %arg9[%dma_wait3A_193] : memref<9232xi32, #tpu.memory_space<vmem>> -> memref<9232xi32, #tpu.memory_space<vmem>>
      %dma_wait3A_195 = tpu.memref_slice %arg3[%multiple_of3A] : memref<2358820xi32, #tpu.memory_space<hbm>> -> memref<9232xi32, #tpu.memory_space<hbm>>
      tpu.wait_dma2 semaphore(%arg16 : memref<!tpu.dma_semaphore, #tpu.memory_space<semaphore_mem>>) src(%dma_wait3A_195 : memref<9232xi32, #tpu.memory_space<hbm>>) dst(%dma_wait3A_194 : memref<9232xi32, #tpu.memory_space<vmem>>)
      %dma_wait3A_196 = arith.constant 0 : i32
      %dma_wait3A_197 = tpu.memref_slice %arg11[%dma_wait3A_196] : memref<9232xi32, #tpu.memory_space<vmem>> -> memref<9232xi32, #tpu.memory_space<vmem>>
      %dma_wait3A_198 = tpu.memref_slice %arg4[%multiple_of3A] : memref<2358820xi32, #tpu.memory_space<hbm>> -> memref<9232xi32, #tpu.memory_space<hbm>>
      %dma_wait3A_199 = arith.constant 0 : i32
      %dma_wait3A_200 = tpu.memref_slice %arg11[%dma_wait3A_199] : memref<9232xi32, #tpu.memory_space<vmem>> -> memref<9232xi32, #tpu.memory_space<vmem>>
      %dma_wait3A_201 = tpu.memref_slice %arg4[%multiple_of3A] : memref<2358820xi32, #tpu.memory_space<hbm>> -> memref<9232xi32, #tpu.memory_space<hbm>>
      tpu.wait_dma2 semaphore(%arg16 : memref<!tpu.dma_semaphore, #tpu.memory_space<semaphore_mem>>) src(%dma_wait3A_201 : memref<9232xi32, #tpu.memory_space<hbm>>) dst(%dma_wait3A_200 : memref<9232xi32, #tpu.memory_space<vmem>>)
      %dma_wait3A_202 = arith.constant 0 : i32
      %dma_wait3A_203 = tpu.memref_slice %arg13[%dma_wait3A_202] : memref<9232xf32, #tpu.memory_space<vmem>> -> memref<9232xf32, #tpu.memory_space<vmem>>
      %dma_wait3A_204 = tpu.memref_slice %arg5[%multiple_of3A] : memref<2358820xf32, #tpu.memory_space<hbm>> -> memref<9232xf32, #tpu.memory_space<hbm>>
      %dma_wait3A_205 = arith.constant 0 : i32
      %dma_wait3A_206 = tpu.memref_slice %arg13[%dma_wait3A_205] : memref<9232xf32, #tpu.memory_space<vmem>> -> memref<9232xf32, #tpu.memory_space<vmem>>
      %dma_wait3A_207 = tpu.memref_slice %arg5[%multiple_of3A] : memref<2358820xf32, #tpu.memory_space<hbm>> -> memref<9232xf32, #tpu.memory_space<hbm>>
      tpu.wait_dma2 semaphore(%arg16 : memref<!tpu.dma_semaphore, #tpu.memory_space<semaphore_mem>>) src(%dma_wait3A_207 : memref<9232xf32, #tpu.memory_space<hbm>>) dst(%dma_wait3A_206 : memref<9232xf32, #tpu.memory_space<vmem>>)
    } else {
    }
    %add3A_133 = arith.constant 160 : i32
    %add3A_134 = arith.addi %add3A_133, %add3A : i32
    %lt3A_135 = arith.constant 255 : i32
    %lt3A_136 = arith.cmpi slt, %add3A_134, %lt3A_135 : i32
    %convert_element_type3A_137 = arith.extui %lt3A_136 : i1 to i32
    %cond3A_138 = arith.constant 0 : i32
    %cond3A_139 = arith.cmpi ne, %convert_element_type3A_137, %cond3A_138 : i32
    scf.if %cond3A_139 {
      %gather3A = tpu.vector_load_idx %arg9[%mul3A_13] : memref<9232xi32, #tpu.memory_space<vmem>>[vector<16xi32>], vector<16xi32>,
      %broadcast_in_dim3A = arith.constant 0.000000e+00 : f32
      %broadcast_in_dim3A_189 = vector.broadcast %broadcast_in_dim3A : f32 to vector<16xf32>
      %parallel_loop3A = arith.constant 0 : i32
      %parallel_loop3A_190 = arith.constant 577 : i32
      %parallel_loop3A_191 = arith.constant 1 : i32
      %parallel_loop3A_192:2 = scf.for %parallel_loop3A_193 = %parallel_loop3A to %parallel_loop3A_190 step %parallel_loop3A_191 iter_args(%parallel_loop3A_194 = %gather3A, %parallel_loop3A_195 = %broadcast_in_dim3A_189) -> (vector<16xi32>, vector<16xf32>)  : i32 {
        %parallel_loop3A_196 = vector.broadcast %parallel_loop3A_193 : i32 to vector<16xi32>
        %parallel_loop3A_197 = arith.addi %mul3A_13, %parallel_loop3A_196 : vector<16xi32>
        %parallel_loop3A_198 = tpu.vector_load_idx %arg9[%parallel_loop3A_197] : memref<9232xi32, #tpu.memory_space<vmem>>[vector<16xi32>], vector<16xi32>,
        %parallel_loop3A_199 = tpu.vector_load_idx %arg11[%parallel_loop3A_197] : memref<9232xi32, #tpu.memory_space<vmem>>[vector<16xi32>], vector<16xi32>,
        %parallel_loop3A_200 = tpu.vector_load_idx %arg13[%parallel_loop3A_197] : memref<9232xf32, #tpu.memory_space<vmem>>[vector<16xi32>], vector<16xf32>,
        %parallel_loop3A_201 = tpu.vector_load_idx %arg7[%parallel_loop3A_199] : memref<16384xf32, #tpu.memory_space<vmem>>[vector<16xi32>], vector<16xf32>,
        %parallel_loop3A_202 = arith.mulf %parallel_loop3A_200, %parallel_loop3A_201 : vector<16xf32>
        %parallel_loop3A_203 = arith.cmpi ne, %parallel_loop3A_198, %parallel_loop3A_194 : vector<16xi32>
        tpu.vector_store_idx %arg14[%parallel_loop3A_194], %parallel_loop3A_195 masked %parallel_loop3A_203 {add = true} : memref<16384xf32, #tpu.memory_space<vmem>>[vector<16xi32>], vector<16xf32>, vector<16xi1>
        %parallel_loop3A_204 = arith.addf %parallel_loop3A_195, %parallel_loop3A_202 : vector<16xf32>
        %parallel_loop3A_205 = arith.select %parallel_loop3A_203, %parallel_loop3A_202, %parallel_loop3A_204 : vector<16xi1>, vector<16xf32>
        scf.yield %parallel_loop3A_198, %parallel_loop3A_205 : vector<16xi32>, vector<16xf32>
      } {sc.loop_unroll_factor = 2 : i64, sc.parallel_access}
      tpu.vector_store_idx %arg14[%parallel_loop3A_192#0], %parallel_loop3A_192#1 {add = true} : memref<16384xf32, #tpu.memory_space<vmem>>[vector<16xi32>], vector<16xf32>,
    } else {
    }
    %add3A_140 = arith.constant 224 : i32
    %add3A_141 = arith.addi %add3A_140, %add3A : i32
    %lt3A_142 = arith.constant 255 : i32
    %lt3A_143 = arith.cmpi slt, %add3A_141, %lt3A_142 : i32
    %convert_element_type3A_144 = arith.extui %lt3A_143 : i1 to i32
    %cond3A_145 = arith.constant 0 : i32
    %cond3A_146 = arith.cmpi ne, %convert_element_type3A_144, %cond3A_145 : i32
    scf.if %cond3A_146 {
      %mul3A_189 = arith.constant 9232 : i32
      %mul3A_190 = arith.muli %add3A_141, %mul3A_189 : i32
      %multiple_of3A = tpu.assume_multiple %mul3A_190, 8 : i32
      %dma_start3A = arith.constant 0 : i32
      %dma_start3A_191 = tpu.memref_slice %arg9[%dma_start3A] : memref<9232xi32, #tpu.memory_space<vmem>> -> memref<9232xi32, #tpu.memory_space<vmem>>
      %dma_start3A_192 = tpu.memref_slice %arg3[%multiple_of3A] : memref<2358820xi32, #tpu.memory_space<hbm>> -> memref<9232xi32, #tpu.memory_space<hbm>>
      %dma_start3A_193 = arith.constant 0 : i32
      %dma_start3A_194 = tpu.memref_slice %arg9[%dma_start3A_193] : memref<9232xi32, #tpu.memory_space<vmem>> -> memref<9232xi32, #tpu.memory_space<vmem>>
      %dma_start3A_195 = tpu.memref_slice %arg3[%multiple_of3A] : memref<2358820xi32, #tpu.memory_space<hbm>> -> memref<9232xi32, #tpu.memory_space<hbm>>
      tpu.enqueue_dma source(%dma_start3A_195 : memref<9232xi32, #tpu.memory_space<hbm>>) target(%dma_start3A_194 : memref<9232xi32, #tpu.memory_space<vmem>>) target_semaphore(%arg16 : memref<!tpu.dma_semaphore, #tpu.memory_space<semaphore_mem>>)
      %dma_start3A_196 = arith.constant 0 : i32
      %dma_start3A_197 = tpu.memref_slice %arg11[%dma_start3A_196] : memref<9232xi32, #tpu.memory_space<vmem>> -> memref<9232xi32, #tpu.memory_space<vmem>>
      %dma_start3A_198 = tpu.memref_slice %arg4[%multiple_of3A] : memref<2358820xi32, #tpu.memory_space<hbm>> -> memref<9232xi32, #tpu.memory_space<hbm>>
      %dma_start3A_199 = arith.constant 0 : i32
      %dma_start3A_200 = tpu.memref_slice %arg11[%dma_start3A_199] : memref<9232xi32, #tpu.memory_space<vmem>> -> memref<9232xi32, #tpu.memory_space<vmem>>
      %dma_start3A_201 = tpu.memref_slice %arg4[%multiple_of3A] : memref<2358820xi32, #tpu.memory_space<hbm>> -> memref<9232xi32, #tpu.memory_space<hbm>>
      tpu.enqueue_dma source(%dma_start3A_201 : memref<9232xi32, #tpu.memory_space<hbm>>) target(%dma_start3A_200 : memref<9232xi32, #tpu.memory_space<vmem>>) target_semaphore(%arg16 : memref<!tpu.dma_semaphore, #tpu.memory_space<semaphore_mem>>)
      %dma_start3A_202 = arith.constant 0 : i32
      %dma_start3A_203 = tpu.memref_slice %arg13[%dma_start3A_202] : memref<9232xf32, #tpu.memory_space<vmem>> -> memref<9232xf32, #tpu.memory_space<vmem>>
      %dma_start3A_204 = tpu.memref_slice %arg5[%multiple_of3A] : memref<2358820xf32, #tpu.memory_space<hbm>> -> memref<9232xf32, #tpu.memory_space<hbm>>
      %dma_start3A_205 = arith.constant 0 : i32
      %dma_start3A_206 = tpu.memref_slice %arg13[%dma_start3A_205] : memref<9232xf32, #tpu.memory_space<vmem>> -> memref<9232xf32, #tpu.memory_space<vmem>>
      %dma_start3A_207 = tpu.memref_slice %arg5[%multiple_of3A] : memref<2358820xf32, #tpu.memory_space<hbm>> -> memref<9232xf32, #tpu.memory_space<hbm>>
      tpu.enqueue_dma source(%dma_start3A_207 : memref<9232xf32, #tpu.memory_space<hbm>>) target(%dma_start3A_206 : memref<9232xf32, #tpu.memory_space<vmem>>) target_semaphore(%arg16 : memref<!tpu.dma_semaphore, #tpu.memory_space<semaphore_mem>>)
    } else {
    }
    %eq3A = arith.constant 255 : i32
    %eq3A_147 = arith.cmpi eq, %add3A_141, %eq3A : i32
    %convert_element_type3A_148 = arith.extui %eq3A_147 : i1 to i32
    %cond3A_149 = arith.constant 0 : i32
    %cond3A_150 = arith.cmpi ne, %convert_element_type3A_148, %cond3A_149 : i32
    scf.if %cond3A_150 {
      %mul3A_189 = arith.constant 9232 : i32
      %mul3A_190 = arith.muli %add3A_141, %mul3A_189 : i32
      %multiple_of3A = tpu.assume_multiple %mul3A_190, 8 : i32
      %dma_start3A = arith.constant 0 : i32
      %dma_start3A_191 = tpu.memref_slice %arg9[%dma_start3A] : memref<9232xi32, #tpu.memory_space<vmem>> -> memref<4660xi32, #tpu.memory_space<vmem>>
      %dma_start3A_192 = tpu.memref_slice %arg3[%multiple_of3A] : memref<2358820xi32, #tpu.memory_space<hbm>> -> memref<4660xi32, #tpu.memory_space<hbm>>
      %dma_start3A_193 = arith.constant 0 : i32
      %dma_start3A_194 = tpu.memref_slice %arg9[%dma_start3A_193] : memref<9232xi32, #tpu.memory_space<vmem>> -> memref<4660xi32, #tpu.memory_space<vmem>>
      %dma_start3A_195 = tpu.memref_slice %arg3[%multiple_of3A] : memref<2358820xi32, #tpu.memory_space<hbm>> -> memref<4660xi32, #tpu.memory_space<hbm>>
      tpu.enqueue_dma source(%dma_start3A_195 : memref<4660xi32, #tpu.memory_space<hbm>>) target(%dma_start3A_194 : memref<4660xi32, #tpu.memory_space<vmem>>) target_semaphore(%arg16 : memref<!tpu.dma_semaphore, #tpu.memory_space<semaphore_mem>>)
      %dma_start3A_196 = arith.constant 0 : i32
      %dma_start3A_197 = tpu.memref_slice %arg11[%dma_start3A_196] : memref<9232xi32, #tpu.memory_space<vmem>> -> memref<4660xi32, #tpu.memory_space<vmem>>
      %dma_start3A_198 = tpu.memref_slice %arg4[%multiple_of3A] : memref<2358820xi32, #tpu.memory_space<hbm>> -> memref<4660xi32, #tpu.memory_space<hbm>>
      %dma_start3A_199 = arith.constant 0 : i32
      %dma_start3A_200 = tpu.memref_slice %arg11[%dma_start3A_199] : memref<9232xi32, #tpu.memory_space<vmem>> -> memref<4660xi32, #tpu.memory_space<vmem>>
      %dma_start3A_201 = tpu.memref_slice %arg4[%multiple_of3A] : memref<2358820xi32, #tpu.memory_space<hbm>> -> memref<4660xi32, #tpu.memory_space<hbm>>
      tpu.enqueue_dma source(%dma_start3A_201 : memref<4660xi32, #tpu.memory_space<hbm>>) target(%dma_start3A_200 : memref<4660xi32, #tpu.memory_space<vmem>>) target_semaphore(%arg16 : memref<!tpu.dma_semaphore, #tpu.memory_space<semaphore_mem>>)
      %dma_start3A_202 = arith.constant 0 : i32
      %dma_start3A_203 = tpu.memref_slice %arg13[%dma_start3A_202] : memref<9232xf32, #tpu.memory_space<vmem>> -> memref<4660xf32, #tpu.memory_space<vmem>>
      %dma_start3A_204 = tpu.memref_slice %arg5[%multiple_of3A] : memref<2358820xf32, #tpu.memory_space<hbm>> -> memref<4660xf32, #tpu.memory_space<hbm>>
      %dma_start3A_205 = arith.constant 0 : i32
      %dma_start3A_206 = tpu.memref_slice %arg13[%dma_start3A_205] : memref<9232xf32, #tpu.memory_space<vmem>> -> memref<4660xf32, #tpu.memory_space<vmem>>
      %dma_start3A_207 = tpu.memref_slice %arg5[%multiple_of3A] : memref<2358820xf32, #tpu.memory_space<hbm>> -> memref<4660xf32, #tpu.memory_space<hbm>>
      tpu.enqueue_dma source(%dma_start3A_207 : memref<4660xf32, #tpu.memory_space<hbm>>) target(%dma_start3A_206 : memref<4660xf32, #tpu.memory_space<vmem>>) target_semaphore(%arg16 : memref<!tpu.dma_semaphore, #tpu.memory_space<semaphore_mem>>)
    } else {
    }
    %add3A_151 = arith.constant 192 : i32
    %add3A_152 = arith.addi %add3A_151, %add3A : i32
    %lt3A_153 = arith.constant 255 : i32
    %lt3A_154 = arith.cmpi slt, %add3A_152, %lt3A_153 : i32
    %convert_element_type3A_155 = arith.extui %lt3A_154 : i1 to i32
    %cond3A_156 = arith.constant 0 : i32
    %cond3A_157 = arith.cmpi ne, %convert_element_type3A_155, %cond3A_156 : i32
    scf.if %cond3A_157 {
      %mul3A_189 = arith.constant 9232 : i32
      %mul3A_190 = arith.muli %add3A_152, %mul3A_189 : i32
      %multiple_of3A = tpu.assume_multiple %mul3A_190, 8 : i32
      %dma_wait3A = arith.constant 0 : i32
      %dma_wait3A_191 = tpu.memref_slice %arg8[%dma_wait3A] : memref<9232xi32, #tpu.memory_space<vmem>> -> memref<9232xi32, #tpu.memory_space<vmem>>
      %dma_wait3A_192 = tpu.memref_slice %arg3[%multiple_of3A] : memref<2358820xi32, #tpu.memory_space<hbm>> -> memref<9232xi32, #tpu.memory_space<hbm>>
      %dma_wait3A_193 = arith.constant 0 : i32
      %dma_wait3A_194 = tpu.memref_slice %arg8[%dma_wait3A_193] : memref<9232xi32, #tpu.memory_space<vmem>> -> memref<9232xi32, #tpu.memory_space<vmem>>
      %dma_wait3A_195 = tpu.memref_slice %arg3[%multiple_of3A] : memref<2358820xi32, #tpu.memory_space<hbm>> -> memref<9232xi32, #tpu.memory_space<hbm>>
      tpu.wait_dma2 semaphore(%arg15 : memref<!tpu.dma_semaphore, #tpu.memory_space<semaphore_mem>>) src(%dma_wait3A_195 : memref<9232xi32, #tpu.memory_space<hbm>>) dst(%dma_wait3A_194 : memref<9232xi32, #tpu.memory_space<vmem>>)
      %dma_wait3A_196 = arith.constant 0 : i32
      %dma_wait3A_197 = tpu.memref_slice %arg10[%dma_wait3A_196] : memref<9232xi32, #tpu.memory_space<vmem>> -> memref<9232xi32, #tpu.memory_space<vmem>>
      %dma_wait3A_198 = tpu.memref_slice %arg4[%multiple_of3A] : memref<2358820xi32, #tpu.memory_space<hbm>> -> memref<9232xi32, #tpu.memory_space<hbm>>
      %dma_wait3A_199 = arith.constant 0 : i32
      %dma_wait3A_200 = tpu.memref_slice %arg10[%dma_wait3A_199] : memref<9232xi32, #tpu.memory_space<vmem>> -> memref<9232xi32, #tpu.memory_space<vmem>>
      %dma_wait3A_201 = tpu.memref_slice %arg4[%multiple_of3A] : memref<2358820xi32, #tpu.memory_space<hbm>> -> memref<9232xi32, #tpu.memory_space<hbm>>
      tpu.wait_dma2 semaphore(%arg15 : memref<!tpu.dma_semaphore, #tpu.memory_space<semaphore_mem>>) src(%dma_wait3A_201 : memref<9232xi32, #tpu.memory_space<hbm>>) dst(%dma_wait3A_200 : memref<9232xi32, #tpu.memory_space<vmem>>)
      %dma_wait3A_202 = arith.constant 0 : i32
      %dma_wait3A_203 = tpu.memref_slice %arg12[%dma_wait3A_202] : memref<9232xf32, #tpu.memory_space<vmem>> -> memref<9232xf32, #tpu.memory_space<vmem>>
      %dma_wait3A_204 = tpu.memref_slice %arg5[%multiple_of3A] : memref<2358820xf32, #tpu.memory_space<hbm>> -> memref<9232xf32, #tpu.memory_space<hbm>>
      %dma_wait3A_205 = arith.constant 0 : i32
      %dma_wait3A_206 = tpu.memref_slice %arg12[%dma_wait3A_205] : memref<9232xf32, #tpu.memory_space<vmem>> -> memref<9232xf32, #tpu.memory_space<vmem>>
      %dma_wait3A_207 = tpu.memref_slice %arg5[%multiple_of3A] : memref<2358820xf32, #tpu.memory_space<hbm>> -> memref<9232xf32, #tpu.memory_space<hbm>>
      tpu.wait_dma2 semaphore(%arg15 : memref<!tpu.dma_semaphore, #tpu.memory_space<semaphore_mem>>) src(%dma_wait3A_207 : memref<9232xf32, #tpu.memory_space<hbm>>) dst(%dma_wait3A_206 : memref<9232xf32, #tpu.memory_space<vmem>>)
    } else {
    }
    %add3A_158 = arith.constant 192 : i32
    %add3A_159 = arith.addi %add3A_158, %add3A : i32
    %lt3A_160 = arith.constant 255 : i32
    %lt3A_161 = arith.cmpi slt, %add3A_159, %lt3A_160 : i32
    %convert_element_type3A_162 = arith.extui %lt3A_161 : i1 to i32
    %cond3A_163 = arith.constant 0 : i32
    %cond3A_164 = arith.cmpi ne, %convert_element_type3A_162, %cond3A_163 : i32
    scf.if %cond3A_164 {
      %gather3A = tpu.vector_load_idx %arg8[%mul3A_13] : memref<9232xi32, #tpu.memory_space<vmem>>[vector<16xi32>], vector<16xi32>,
      %broadcast_in_dim3A = arith.constant 0.000000e+00 : f32
      %broadcast_in_dim3A_189 = vector.broadcast %broadcast_in_dim3A : f32 to vector<16xf32>
      %parallel_loop3A = arith.constant 0 : i32
      %parallel_loop3A_190 = arith.constant 577 : i32
      %parallel_loop3A_191 = arith.constant 1 : i32
      %parallel_loop3A_192:2 = scf.for %parallel_loop3A_193 = %parallel_loop3A to %parallel_loop3A_190 step %parallel_loop3A_191 iter_args(%parallel_loop3A_194 = %gather3A, %parallel_loop3A_195 = %broadcast_in_dim3A_189) -> (vector<16xi32>, vector<16xf32>)  : i32 {
        %parallel_loop3A_196 = vector.broadcast %parallel_loop3A_193 : i32 to vector<16xi32>
        %parallel_loop3A_197 = arith.addi %mul3A_13, %parallel_loop3A_196 : vector<16xi32>
        %parallel_loop3A_198 = tpu.vector_load_idx %arg8[%parallel_loop3A_197] : memref<9232xi32, #tpu.memory_space<vmem>>[vector<16xi32>], vector<16xi32>,
        %parallel_loop3A_199 = tpu.vector_load_idx %arg10[%parallel_loop3A_197] : memref<9232xi32, #tpu.memory_space<vmem>>[vector<16xi32>], vector<16xi32>,
        %parallel_loop3A_200 = tpu.vector_load_idx %arg12[%parallel_loop3A_197] : memref<9232xf32, #tpu.memory_space<vmem>>[vector<16xi32>], vector<16xf32>,
        %parallel_loop3A_201 = tpu.vector_load_idx %arg7[%parallel_loop3A_199] : memref<16384xf32, #tpu.memory_space<vmem>>[vector<16xi32>], vector<16xf32>,
        %parallel_loop3A_202 = arith.mulf %parallel_loop3A_200, %parallel_loop3A_201 : vector<16xf32>
        %parallel_loop3A_203 = arith.cmpi ne, %parallel_loop3A_198, %parallel_loop3A_194 : vector<16xi32>
        tpu.vector_store_idx %arg14[%parallel_loop3A_194], %parallel_loop3A_195 masked %parallel_loop3A_203 {add = true} : memref<16384xf32, #tpu.memory_space<vmem>>[vector<16xi32>], vector<16xf32>, vector<16xi1>
        %parallel_loop3A_204 = arith.addf %parallel_loop3A_195, %parallel_loop3A_202 : vector<16xf32>
        %parallel_loop3A_205 = arith.select %parallel_loop3A_203, %parallel_loop3A_202, %parallel_loop3A_204 : vector<16xi1>, vector<16xf32>
        scf.yield %parallel_loop3A_198, %parallel_loop3A_205 : vector<16xi32>, vector<16xf32>
      } {sc.loop_unroll_factor = 2 : i64, sc.parallel_access}
      tpu.vector_store_idx %arg14[%parallel_loop3A_192#0], %parallel_loop3A_192#1 {add = true} : memref<16384xf32, #tpu.memory_space<vmem>>[vector<16xi32>], vector<16xf32>,
    } else {
    }
    %add3A_165 = arith.constant 224 : i32
    %add3A_166 = arith.addi %add3A_165, %add3A : i32
    %lt3A_167 = arith.constant 255 : i32
    %lt3A_168 = arith.cmpi slt, %add3A_166, %lt3A_167 : i32
    %convert_element_type3A_169 = arith.extui %lt3A_168 : i1 to i32
    %cond3A_170 = arith.constant 0 : i32
    %cond3A_171 = arith.cmpi ne, %convert_element_type3A_169, %cond3A_170 : i32
    scf.if %cond3A_171 {
      %mul3A_189 = arith.constant 9232 : i32
      %mul3A_190 = arith.muli %add3A_166, %mul3A_189 : i32
      %multiple_of3A = tpu.assume_multiple %mul3A_190, 8 : i32
      %dma_wait3A = arith.constant 0 : i32
      %dma_wait3A_191 = tpu.memref_slice %arg9[%dma_wait3A] : memref<9232xi32, #tpu.memory_space<vmem>> -> memref<9232xi32, #tpu.memory_space<vmem>>
      %dma_wait3A_192 = tpu.memref_slice %arg3[%multiple_of3A] : memref<2358820xi32, #tpu.memory_space<hbm>> -> memref<9232xi32, #tpu.memory_space<hbm>>
      %dma_wait3A_193 = arith.constant 0 : i32
      %dma_wait3A_194 = tpu.memref_slice %arg9[%dma_wait3A_193] : memref<9232xi32, #tpu.memory_space<vmem>> -> memref<9232xi32, #tpu.memory_space<vmem>>
      %dma_wait3A_195 = tpu.memref_slice %arg3[%multiple_of3A] : memref<2358820xi32, #tpu.memory_space<hbm>> -> memref<9232xi32, #tpu.memory_space<hbm>>
      tpu.wait_dma2 semaphore(%arg16 : memref<!tpu.dma_semaphore, #tpu.memory_space<semaphore_mem>>) src(%dma_wait3A_195 : memref<9232xi32, #tpu.memory_space<hbm>>) dst(%dma_wait3A_194 : memref<9232xi32, #tpu.memory_space<vmem>>)
      %dma_wait3A_196 = arith.constant 0 : i32
      %dma_wait3A_197 = tpu.memref_slice %arg11[%dma_wait3A_196] : memref<9232xi32, #tpu.memory_space<vmem>> -> memref<9232xi32, #tpu.memory_space<vmem>>
      %dma_wait3A_198 = tpu.memref_slice %arg4[%multiple_of3A] : memref<2358820xi32, #tpu.memory_space<hbm>> -> memref<9232xi32, #tpu.memory_space<hbm>>
      %dma_wait3A_199 = arith.constant 0 : i32
      %dma_wait3A_200 = tpu.memref_slice %arg11[%dma_wait3A_199] : memref<9232xi32, #tpu.memory_space<vmem>> -> memref<9232xi32, #tpu.memory_space<vmem>>
      %dma_wait3A_201 = tpu.memref_slice %arg4[%multiple_of3A] : memref<2358820xi32, #tpu.memory_space<hbm>> -> memref<9232xi32, #tpu.memory_space<hbm>>
      tpu.wait_dma2 semaphore(%arg16 : memref<!tpu.dma_semaphore, #tpu.memory_space<semaphore_mem>>) src(%dma_wait3A_201 : memref<9232xi32, #tpu.memory_space<hbm>>) dst(%dma_wait3A_200 : memref<9232xi32, #tpu.memory_space<vmem>>)
      %dma_wait3A_202 = arith.constant 0 : i32
      %dma_wait3A_203 = tpu.memref_slice %arg13[%dma_wait3A_202] : memref<9232xf32, #tpu.memory_space<vmem>> -> memref<9232xf32, #tpu.memory_space<vmem>>
      %dma_wait3A_204 = tpu.memref_slice %arg5[%multiple_of3A] : memref<2358820xf32, #tpu.memory_space<hbm>> -> memref<9232xf32, #tpu.memory_space<hbm>>
      %dma_wait3A_205 = arith.constant 0 : i32
      %dma_wait3A_206 = tpu.memref_slice %arg13[%dma_wait3A_205] : memref<9232xf32, #tpu.memory_space<vmem>> -> memref<9232xf32, #tpu.memory_space<vmem>>
      %dma_wait3A_207 = tpu.memref_slice %arg5[%multiple_of3A] : memref<2358820xf32, #tpu.memory_space<hbm>> -> memref<9232xf32, #tpu.memory_space<hbm>>
      tpu.wait_dma2 semaphore(%arg16 : memref<!tpu.dma_semaphore, #tpu.memory_space<semaphore_mem>>) src(%dma_wait3A_207 : memref<9232xf32, #tpu.memory_space<hbm>>) dst(%dma_wait3A_206 : memref<9232xf32, #tpu.memory_space<vmem>>)
    } else {
    }
    %eq3A_172 = arith.constant 255 : i32
    %eq3A_173 = arith.cmpi eq, %add3A_166, %eq3A_172 : i32
    %convert_element_type3A_174 = arith.extui %eq3A_173 : i1 to i32
    %cond3A_175 = arith.constant 0 : i32
    %cond3A_176 = arith.cmpi ne, %convert_element_type3A_174, %cond3A_175 : i32
    scf.if %cond3A_176 {
      %mul3A_189 = arith.constant 9232 : i32
      %mul3A_190 = arith.muli %add3A_166, %mul3A_189 : i32
      %multiple_of3A = tpu.assume_multiple %mul3A_190, 8 : i32
      %dma_wait3A = arith.constant 0 : i32
      %dma_wait3A_191 = tpu.memref_slice %arg9[%dma_wait3A] : memref<9232xi32, #tpu.memory_space<vmem>> -> memref<4660xi32, #tpu.memory_space<vmem>>
      %dma_wait3A_192 = tpu.memref_slice %arg3[%multiple_of3A] : memref<2358820xi32, #tpu.memory_space<hbm>> -> memref<4660xi32, #tpu.memory_space<hbm>>
      %dma_wait3A_193 = arith.constant 0 : i32
      %dma_wait3A_194 = tpu.memref_slice %arg9[%dma_wait3A_193] : memref<9232xi32, #tpu.memory_space<vmem>> -> memref<4660xi32, #tpu.memory_space<vmem>>
      %dma_wait3A_195 = tpu.memref_slice %arg3[%multiple_of3A] : memref<2358820xi32, #tpu.memory_space<hbm>> -> memref<4660xi32, #tpu.memory_space<hbm>>
      tpu.wait_dma2 semaphore(%arg16 : memref<!tpu.dma_semaphore, #tpu.memory_space<semaphore_mem>>) src(%dma_wait3A_195 : memref<4660xi32, #tpu.memory_space<hbm>>) dst(%dma_wait3A_194 : memref<4660xi32, #tpu.memory_space<vmem>>)
      %dma_wait3A_196 = arith.constant 0 : i32
      %dma_wait3A_197 = tpu.memref_slice %arg11[%dma_wait3A_196] : memref<9232xi32, #tpu.memory_space<vmem>> -> memref<4660xi32, #tpu.memory_space<vmem>>
      %dma_wait3A_198 = tpu.memref_slice %arg4[%multiple_of3A] : memref<2358820xi32, #tpu.memory_space<hbm>> -> memref<4660xi32, #tpu.memory_space<hbm>>
      %dma_wait3A_199 = arith.constant 0 : i32
      %dma_wait3A_200 = tpu.memref_slice %arg11[%dma_wait3A_199] : memref<9232xi32, #tpu.memory_space<vmem>> -> memref<4660xi32, #tpu.memory_space<vmem>>
      %dma_wait3A_201 = tpu.memref_slice %arg4[%multiple_of3A] : memref<2358820xi32, #tpu.memory_space<hbm>> -> memref<4660xi32, #tpu.memory_space<hbm>>
      tpu.wait_dma2 semaphore(%arg16 : memref<!tpu.dma_semaphore, #tpu.memory_space<semaphore_mem>>) src(%dma_wait3A_201 : memref<4660xi32, #tpu.memory_space<hbm>>) dst(%dma_wait3A_200 : memref<4660xi32, #tpu.memory_space<vmem>>)
      %dma_wait3A_202 = arith.constant 0 : i32
      %dma_wait3A_203 = tpu.memref_slice %arg13[%dma_wait3A_202] : memref<9232xf32, #tpu.memory_space<vmem>> -> memref<4660xf32, #tpu.memory_space<vmem>>
      %dma_wait3A_204 = tpu.memref_slice %arg5[%multiple_of3A] : memref<2358820xf32, #tpu.memory_space<hbm>> -> memref<4660xf32, #tpu.memory_space<hbm>>
      %dma_wait3A_205 = arith.constant 0 : i32
      %dma_wait3A_206 = tpu.memref_slice %arg13[%dma_wait3A_205] : memref<9232xf32, #tpu.memory_space<vmem>> -> memref<4660xf32, #tpu.memory_space<vmem>>
      %dma_wait3A_207 = tpu.memref_slice %arg5[%multiple_of3A] : memref<2358820xf32, #tpu.memory_space<hbm>> -> memref<4660xf32, #tpu.memory_space<hbm>>
      tpu.wait_dma2 semaphore(%arg16 : memref<!tpu.dma_semaphore, #tpu.memory_space<semaphore_mem>>) src(%dma_wait3A_207 : memref<4660xf32, #tpu.memory_space<hbm>>) dst(%dma_wait3A_206 : memref<4660xf32, #tpu.memory_space<vmem>>)
    } else {
    }
    %add3A_177 = arith.constant 224 : i32
    %add3A_178 = arith.addi %add3A_177, %add3A : i32
    %lt3A_179 = arith.constant 255 : i32
    %lt3A_180 = arith.cmpi slt, %add3A_178, %lt3A_179 : i32
    %convert_element_type3A_181 = arith.extui %lt3A_180 : i1 to i32
    %cond3A_182 = arith.constant 0 : i32
    %cond3A_183 = arith.cmpi ne, %convert_element_type3A_181, %cond3A_182 : i32
    scf.if %cond3A_183 {
      %gather3A = tpu.vector_load_idx %arg9[%mul3A_13] : memref<9232xi32, #tpu.memory_space<vmem>>[vector<16xi32>], vector<16xi32>,
      %broadcast_in_dim3A = arith.constant 0.000000e+00 : f32
      %broadcast_in_dim3A_189 = vector.broadcast %broadcast_in_dim3A : f32 to vector<16xf32>
      %parallel_loop3A = arith.constant 0 : i32
      %parallel_loop3A_190 = arith.constant 577 : i32
      %parallel_loop3A_191 = arith.constant 1 : i32
      %parallel_loop3A_192:2 = scf.for %parallel_loop3A_193 = %parallel_loop3A to %parallel_loop3A_190 step %parallel_loop3A_191 iter_args(%parallel_loop3A_194 = %gather3A, %parallel_loop3A_195 = %broadcast_in_dim3A_189) -> (vector<16xi32>, vector<16xf32>)  : i32 {
        %parallel_loop3A_196 = vector.broadcast %parallel_loop3A_193 : i32 to vector<16xi32>
        %parallel_loop3A_197 = arith.addi %mul3A_13, %parallel_loop3A_196 : vector<16xi32>
        %parallel_loop3A_198 = tpu.vector_load_idx %arg9[%parallel_loop3A_197] : memref<9232xi32, #tpu.memory_space<vmem>>[vector<16xi32>], vector<16xi32>,
        %parallel_loop3A_199 = tpu.vector_load_idx %arg11[%parallel_loop3A_197] : memref<9232xi32, #tpu.memory_space<vmem>>[vector<16xi32>], vector<16xi32>,
        %parallel_loop3A_200 = tpu.vector_load_idx %arg13[%parallel_loop3A_197] : memref<9232xf32, #tpu.memory_space<vmem>>[vector<16xi32>], vector<16xf32>,
        %parallel_loop3A_201 = tpu.vector_load_idx %arg7[%parallel_loop3A_199] : memref<16384xf32, #tpu.memory_space<vmem>>[vector<16xi32>], vector<16xf32>,
        %parallel_loop3A_202 = arith.mulf %parallel_loop3A_200, %parallel_loop3A_201 : vector<16xf32>
        %parallel_loop3A_203 = arith.cmpi ne, %parallel_loop3A_198, %parallel_loop3A_194 : vector<16xi32>
        tpu.vector_store_idx %arg14[%parallel_loop3A_194], %parallel_loop3A_195 masked %parallel_loop3A_203 {add = true} : memref<16384xf32, #tpu.memory_space<vmem>>[vector<16xi32>], vector<16xf32>, vector<16xi1>
        %parallel_loop3A_204 = arith.addf %parallel_loop3A_195, %parallel_loop3A_202 : vector<16xf32>
        %parallel_loop3A_205 = arith.select %parallel_loop3A_203, %parallel_loop3A_202, %parallel_loop3A_204 : vector<16xi1>, vector<16xf32>
        scf.yield %parallel_loop3A_198, %parallel_loop3A_205 : vector<16xi32>, vector<16xf32>
      } {sc.loop_unroll_factor = 2 : i64, sc.parallel_access}
      tpu.vector_store_idx %arg14[%parallel_loop3A_192#0], %parallel_loop3A_192#1 {add = true} : memref<16384xf32, #tpu.memory_space<vmem>>[vector<16xi32>], vector<16xf32>,
    } else {
    }
    %eq3A_184 = arith.constant 255 : i32
    %eq3A_185 = arith.cmpi eq, %add3A_178, %eq3A_184 : i32
    %convert_element_type3A_186 = arith.extui %eq3A_185 : i1 to i32
    %cond3A_187 = arith.constant 0 : i32
    %cond3A_188 = arith.cmpi ne, %convert_element_type3A_186, %cond3A_187 : i32
    scf.if %cond3A_188 {
      %scan3A_189 = arith.constant 0 : i32
      %scan3A_190 = arith.constant 0 : i32
      %scan3A_191 = arith.constant 291 : i32
      %scan3A_192 = arith.addi %scan3A_190, %scan3A_191 : i32
      %scan3A_193 = arith.constant 1 : i32
      %scan3A_194 = scf.for %scan3A_211 = %scan3A_190 to %scan3A_192 step %scan3A_193 iter_args(%scan3A_212 = %scan3A_189) -> (i32)  : i32 {
        %mul3A_213 = arith.constant 16 : i32
        %mul3A_214 = arith.muli %scan3A_211, %mul3A_213 : i32
        %multiple_of3A = tpu.assume_multiple %mul3A_214, 16 : i32
        %get3A_215 = arith.index_cast %multiple_of3A : i32 to index
        %get3A_216 = tpu.vector_load %arg11[%get3A_215] {strides = array<i32>} : memref<9232xi32, #tpu.memory_space<vmem>>, vector<16xi32>,
        %get3A_217 = arith.index_cast %multiple_of3A : i32 to index
        %get3A_218 = tpu.vector_load %arg9[%get3A_217] {strides = array<i32>} : memref<9232xi32, #tpu.memory_space<vmem>>, vector<16xi32>,
        %get3A_219 = arith.index_cast %multiple_of3A : i32 to index
        %get3A_220 = tpu.vector_load %arg13[%get3A_219] {strides = array<i32>} : memref<9232xf32, #tpu.memory_space<vmem>>, vector<16xf32>,
        %gather3A_221 = tpu.vector_load_idx %arg7[%get3A_216] : memref<16384xf32, #tpu.memory_space<vmem>>[vector<16xi32>], vector<16xf32>,
        %mul3A_222 = arith.mulf %get3A_220, %gather3A_221 : vector<16xf32>
        tpu.vector_store_idx %arg14[%get3A_218], %mul3A_222 {add = true} : memref<16384xf32, #tpu.memory_space<vmem>>[vector<16xi32>], vector<16xf32>,
        %scan3A_223 = arith.constant 0 : i32
        scf.yield %scan3A_223 : i32
      }
      %scan3A_195 = arith.constant 291 : i32
      %lt3A_196 = arith.constant 4 : i32
      %lt3A_197 = vector.broadcast %lt3A_196 : i32 to vector<16xi32>
      %lt3A_198 = arith.cmpi slt, %iota3A, %lt3A_197 : vector<16xi32>
      %get3A = arith.constant 4656 : index
      %get3A_199 = tpu.vector_load %arg11[%get3A] {strides = array<i32>} : memref<9232xi32, #tpu.memory_space<vmem>>, vector<16xi32>,
      %jit3A = arith.constant 0 : i32
      %broadcast_in_dim3A = vector.broadcast %jit3A : i32 to vector<16xi32>
      %select_n3A = arith.select %lt3A_198, %get3A_199, %broadcast_in_dim3A : vector<16xi1>, vector<16xi32>
      %get3A_200 = arith.constant 4656 : index
      %get3A_201 = tpu.vector_load %arg9[%get3A_200] {strides = array<i32>} : memref<9232xi32, #tpu.memory_space<vmem>>, vector<16xi32>,
      %jit3A_202 = arith.constant 0 : i32
      %broadcast_in_dim3A_203 = vector.broadcast %jit3A_202 : i32 to vector<16xi32>
      %select_n3A_204 = arith.select %lt3A_198, %get3A_201, %broadcast_in_dim3A_203 : vector<16xi1>, vector<16xi32>
      %get3A_205 = arith.constant 4656 : index
      %get3A_206 = tpu.vector_load %arg13[%get3A_205] {strides = array<i32>} : memref<9232xf32, #tpu.memory_space<vmem>>, vector<16xf32>,
      %jit3A_207 = arith.constant 0.000000e+00 : f32
      %broadcast_in_dim3A_208 = vector.broadcast %jit3A_207 : f32 to vector<16xf32>
      %select_n3A_209 = arith.select %lt3A_198, %get3A_206, %broadcast_in_dim3A_208 : vector<16xi1>, vector<16xf32>
      %gather3A = tpu.vector_load_idx %arg7[%select_n3A] masked %lt3A_198 : memref<16384xf32, #tpu.memory_space<vmem>>[vector<16xi32>], vector<16xf32>, vector<16xi1>
      %mul3A_210 = arith.mulf %select_n3A_209, %gather3A : vector<16xf32>
      tpu.vector_store_idx %arg14[%select_n3A_204], %mul3A_210 masked %lt3A_198 {add = true} : memref<16384xf32, #tpu.memory_space<vmem>>[vector<16xi32>], vector<16xf32>, vector<16xi1>
    } else {
    }
    "tpu.region"() ({
      %run_scoped3A = tpu.sem_alloc : memref<!tpu.dma_semaphore, #tpu.memory_space<semaphore_mem>>
      %dma_start3A = arith.constant 0 : i32
      %dma_start3A_189 = tpu.memref_slice %arg6[%add3A, %dma_start3A] : memref<32x16384xf32, #tpu.memory_space<hbm>> -> memref<1x16384xf32, #tpu.memory_space<hbm>>
      %dma_start3A_190 = tpu.memref_squeeze %dma_start3A_189 : memref<1x16384xf32, #tpu.memory_space<hbm>> -> memref<16384xf32, #tpu.memory_space<hbm>>
      %dma_start3A_191 = arith.constant 0 : i32
      %dma_start3A_192 = tpu.memref_slice %arg6[%add3A, %dma_start3A_191] : memref<32x16384xf32, #tpu.memory_space<hbm>> -> memref<1x16384xf32, #tpu.memory_space<hbm>>
      %dma_start3A_193 = tpu.memref_squeeze %dma_start3A_192 : memref<1x16384xf32, #tpu.memory_space<hbm>> -> memref<16384xf32, #tpu.memory_space<hbm>>
      tpu.enqueue_dma source(%arg14 : memref<16384xf32, #tpu.memory_space<vmem>>) target(%dma_start3A_193 : memref<16384xf32, #tpu.memory_space<hbm>>) target_semaphore(%run_scoped3A : memref<!tpu.dma_semaphore, #tpu.memory_space<semaphore_mem>>)
      %dma_wait3A = arith.constant 0 : i32
      %dma_wait3A_194 = tpu.memref_slice %arg6[%add3A, %dma_wait3A] : memref<32x16384xf32, #tpu.memory_space<hbm>> -> memref<1x16384xf32, #tpu.memory_space<hbm>>
      %dma_wait3A_195 = tpu.memref_squeeze %dma_wait3A_194 : memref<1x16384xf32, #tpu.memory_space<hbm>> -> memref<16384xf32, #tpu.memory_space<hbm>>
      %dma_wait3A_196 = arith.constant 0 : i32
      %dma_wait3A_197 = tpu.memref_slice %arg6[%add3A, %dma_wait3A_196] : memref<32x16384xf32, #tpu.memory_space<hbm>> -> memref<1x16384xf32, #tpu.memory_space<hbm>>
      %dma_wait3A_198 = tpu.memref_squeeze %dma_wait3A_197 : memref<1x16384xf32, #tpu.memory_space<hbm>> -> memref<16384xf32, #tpu.memory_space<hbm>>
      tpu.wait_dma2 semaphore(%run_scoped3A : memref<!tpu.dma_semaphore, #tpu.memory_space<semaphore_mem>>) src(%arg14 : memref<16384xf32, #tpu.memory_space<vmem>>) dst(%dma_wait3A_198 : memref<16384xf32, #tpu.memory_space<hbm>>)
      tpu.yield
    }) : () -> ()
    return
  }
}

module attributes {stable_mosaic.version = 14 : i64} {
  func.func @body(%arg0: memref<32x16384xf32, #tpu.memory_space<vmem>>, %arg1: memref<1x16384xf32, #tpu.memory_space<vmem>>, %arg2: memref<1x16384xf32, #tpu.memory_space<vmem>>) attributes {dimension_semantics = [], scalar_prefetch = 0 : i64, scratch_operands = 0 : i64, tpu.core_type = #tpu.core_type<tc>} {
    %get3A = arith.constant 0 : index
    %get3A_0 = arith.constant 0 : index
    %get3A_1 = vector.load %arg0[%get3A, %get3A_0] : memref<32x16384xf32, #tpu.memory_space<vmem>>, vector<32x16384xf32>
    %reduce_sum3A = arith.constant dense<0.000000e+00> : vector<16384xf32>
    %reduce_sum3A_2 = vector.multi_reduction <add>, %get3A_1, %reduce_sum3A [0] : vector<32x16384xf32> to vector<16384xf32>
    %broadcast_in_dim3A = vector.shape_cast %reduce_sum3A_2 : vector<16384xf32> to vector<1x16384xf32>
    %get3A_3 = arith.constant 0 : index
    %get3A_4 = arith.constant 0 : index
    %get3A_5 = vector.load %arg1[%get3A_3, %get3A_4] : memref<1x16384xf32, #tpu.memory_space<vmem>>, vector<1x16384xf32>
    %add3A = arith.addf %broadcast_in_dim3A, %get3A_5 : vector<1x16384xf32>
    %swap3A = arith.constant 0 : index
    %swap3A_6 = arith.constant 0 : index
    %swap3A_7 = vector.load %arg2[%swap3A, %swap3A_6] : memref<1x16384xf32, #tpu.memory_space<vmem>>, vector<1x16384xf32>
    tpu.vector_store %arg2[%swap3A, %swap3A_6], %add3A {strides = array<i32>} : memref<1x16384xf32, #tpu.memory_space<vmem>>, vector<1x16384xf32>,
    return
  }
}

</mosaic_0001>

<sc_bundles>
// kernel: kernel.4.cloned.1.call-start
scs
__scs_entry_jumppad:
0x0: {  	(pc) =	sbr.rel $0x88, $3  }
0x1: {  	(tag) =	ssettag $0x0;
	lr =	simm.s32 $0x1  }
0x2: {  	[smem:$0x3F9C] =	sst lr;
	_ =	strace $0xD0000000  }
0x3: {  	_ = 	snop  }
0x4: {  	_ = 	snop  }
0x5: {  	_ = 	snop  }
0x6: {  	_ = 	snop  }
0x7: {  	_ = 	snop  }
__scs_overlays_trampoline_lowered:
0x8: {  	[smem:$0x3FAB] =	sst s0  }
0x9: {  	[smem:$0x3FAC] =	sst s1  }
0xa: {  	[smem:$0x3FAD] =	sst s2  }
0xb: {  	[smem:$0x3FAE] =	sst s3  }
0xc: {  	[smem:$0x3FAF] =	sst s4  }
0xd: {  	[smem:$0x3FB0] =	sst s5  }
0xe: {  	[smem:$0x3FB1] =	sst s6  }
0xf: {  	[smem:$0x3FB2] =	sst s7  }
0x10: {  	[smem:$0x3FB3] =	sst s8  }
0x11: {  	[smem:$0x3FB4] =	sst s9;
	s0 =	simm.s32 @!p0 $0x0  }
0x12: {  	s1 =	sld [smem:$0x3F9A];
	s0 =	simm.s32 @p0 $0x1  }
0x13: {  	[smem:$0x3FB5] =	sst s0;
	s0 =	simm.s32 @!p1 $0x0  }
0x14: {  	s2 =	sld [smem:$0x3F99];
	s0 =	simm.s32 @p1 $0x1  }
0x15: {  	[smem:$0x3FB6] =	sst s0;
	s0 =	simm.s32 @!p2 $0x0  }
0x16: {  	s3 =	sld [smem:$0x3FDB];
	s0 =	simm.s32 @p2 $0x1  }
0x17: {  	s4 =	simm.s32 $0x1BF5;
	[smem:$0x3FB8] =	sst s0  }
0x18: {  	s0 =	sld [smem:$0x3F9B];
	_ =	swait.ge [sflag:s4], $0x0  }
0x19: {  	s7 =	sld [smem:$0x3F9C]  }
0x1a: {  	s8 =	sadd.s32 $0xFFFFE003, lr  }
0x1b: {  	s9 =	sadd.s32 $0xFFFFFEF7, lr;
	s5 =	simm.s32 $0xFFFFFFFF;
	p2 =	slt.u32 s8, $0xFFFFF086  }
0x1c: {  	p1 =	slt.u32 s9, $0xF7A;
	s5 =	simm.s32 @!p2 $0x0  }
0x1d: {  	s5 =	simm.s32 @p1 $0x1;
	p0 =	seq.s32 s7, s2  }
0x1e: {  	s7 =	smul.u32 @!p0 $0xF7A, s2;
	p2 =	seq.s32 @!p0 s5, $0x0  }
0x1f: {  	s9 =	smul.u32 $0xF7A, s1;
	s8 =	simm.s32 @!p0 $0x1BF5;
	p2 =	por !p2, p0  }
0x20: {  	[sflag:s8] =	ssyncset.s32 @!p0 $0xFFFFF086;
	s6 =	sadd.s32 @!p0 s3, s7;
	s7 =	simm.s32 @!p0 $0x108  }
0x21: {  	s3 =	sadd.s32 s3, s9;
	s6 =	sadd.s32 @!p0 $0x88, s6;
	s7 =	simm.s32 @p2 $0x1082  }
0x22: {  	[simem:s7], [sflag:s8] =	dma.local @!p0 [hbm:s6], $0xF7A  }
0x23: {  	s9 =	sor.u32 $0xD0000000, s2;
	s6 =	simm.s32 $0x108;
	_ =	swait.ge @!p0 [sflag:s8], $0x0  }
0x24: {  	s3 =	sadd.s32 $0x88, s3;
	s6 =	simm.s32 @!p1 $0x1082;
	[sflag:s4] =	ssyncset.s32 $0xFFFFF086  }
0x25: {  	[simem:s6], [sflag:s4] =	dma.local [hbm:s3], $0xF7A  }
0x26: {  	[smem:$0x3F9C] =	sst s1;
	(tag) =	ssettag s2;
	_ =	strace s9  }
0x27: {  	s1 =	sld [smem:$0x3FAC]  }
0x28: {  	s2 =	sld [smem:$0x3FAD]  }
0x29: {  	s4 =	sld [smem:$0x3FAF]  }
0x2a: {  	p0 =	seq.s32 s5, $0x0;
	s5 =	sld [smem:$0x3FB0]  }
0x2b: {  	s6 =	sld [smem:$0x3FB1]  }
0x2c: {  	s7 =	sld [smem:$0x3FB2]  }
0x2d: {  	s3 =	simm.s32 $0x108;
	s8 =	sld [smem:$0x3FB3]  }
0x2e: {  	s3 =	simm.s32 @!p0 $0x1082;
	s9 =	sld [smem:$0x3FB4]  }
0x2f: {  	lr =	sadd.s32 s0, s3;
	s0 =	sld [smem:$0x3FAB]  }
0x30: {  	s3 =	sld [smem:$0x3FAE]  }
0x31: {  	[smem:$0x3FB7] =	sst s10  }
0x32: {  	s10 =	sld [smem:$0x3FB5];
	_ =	sdelay $0x3  }
0x33: {  	p0 =	seq.s32 s10, $0x1;
	s10 =	sld [smem:$0x3FB7];
	_ =	sdelay $0x3  }
0x34: {  	[smem:$0x3FB7] =	sst s10  }
0x35: {  	s10 =	sld [smem:$0x3FB6];
	_ =	sdelay $0x3  }
0x36: {  	p1 =	seq.s32 s10, $0x1;
	s10 =	sld [smem:$0x3FB7];
	_ =	sdelay $0x3  }
0x37: {  	[smem:$0x3FB7] =	sst s10  }
0x38: {  	s10 =	sld [smem:$0x3FB8]  }
0x39: {  	_ = 	snop;
	(pc) =	sbr.ind lr, $3  }
0x3a: {  	_ = 	snop  }
0x3b: {  	_ = 	snop  }
0x3c: {  	p2 =	seq.s32 s10, $0x1;
	s10 =	sld [smem:$0x3FB7]  }
0x3d: {  	_ =	shalt  }
0x3e: {  	_ =	shalt  }
0x3f: {  	_ =	shalt  }
0x40: {  	_ =	shalt  }
0x41: {  	_ =	shalt  }
0x42: {  	_ =	shalt  }
0x43: {  	_ =	shalt  }
0x44: {  	_ =	shalt  }
0x45: {  	_ =	shalt  }
0x46: {  	_ =	shalt  }
0x47: {  	_ =	shalt  }
0x48: {  	_ =	shalt  }
0x49: {  	_ =	shalt  }
0x4a: {  	_ =	shalt  }
0x4b: {  	_ =	shalt  }
0x4c: {  	_ =	shalt  }
0x4d: {  	_ =	shalt  }
0x4e: {  	_ =	shalt  }
0x4f: {  	_ =	shalt  }
0x50: {  	_ =	shalt  }
0x51: {  	_ =	shalt  }
0x52: {  	_ =	shalt  }
0x53: {  	_ =	shalt  }
0x54: {  	_ =	shalt  }
0x55: {  	_ =	shalt  }
0x56: {  	_ =	shalt  }
0x57: {  	_ =	shalt  }
0x58: {  	_ =	shalt  }
0x59: {  	_ =	shalt  }
0x5a: {  	_ =	shalt  }
0x5b: {  	_ =	shalt  }
0x5c: {  	_ =	shalt  }
0x5d: {  	_ =	shalt  }
0x5e: {  	_ =	shalt  }
0x5f: {  	_ =	shalt  }
0x60: {  	_ =	shalt  }
0x61: {  	_ =	shalt  }
0x62: {  	_ =	shalt  }
0x63: {  	_ =	shalt  }
0x64: {  	_ =	shalt  }
0x65: {  	_ =	shalt  }
0x66: {  	_ =	shalt  }
0x67: {  	_ =	shalt  }
0x68: {  	_ =	shalt  }
0x69: {  	_ =	shalt  }
0x6a: {  	_ =	shalt  }
0x6b: {  	_ =	shalt  }
0x6c: {  	_ =	shalt  }
0x6d: {  	_ =	shalt  }
0x6e: {  	_ =	shalt  }
0x6f: {  	_ =	shalt  }
0x70: {  	_ =	shalt  }
0x71: {  	_ =	shalt  }
0x72: {  	_ =	shalt  }
0x73: {  	_ =	shalt  }
0x74: {  	_ =	shalt  }
0x75: {  	_ =	shalt  }
0x76: {  	_ =	shalt  }
0x77: {  	_ =	shalt  }
0x78: {  	_ =	shalt  }
0x79: {  	_ =	shalt  }
0x7a: {  	_ =	shalt  }
0x7b: {  	_ =	shalt  }
0x7c: {  	_ =	shalt  }
0x7d: {  	_ =	shalt  }
0x7e: {  	_ =	shalt  }
0x7f: {  	_ =	shalt  }
0x80: {  	_ =	shalt  }
0x81: {  	_ =	shalt  }
0x82: {  	_ =	shalt  }
0x83: {  	_ =	shalt  }
0x84: {  	_ =	shalt  }
0x85: {  	_ =	shalt  }
0x86: {  	_ =	shalt  }
0x87: {  	_ =	shalt  }
.Lfunc_end0:
.L_simem_size_0:
called_computation_lowered:
.L_overlay_start_0:
0x88: {  	s2 =	sld [smem:$0x3FD9]  }
0x89: {  	s3 =	sld [smem:$0x3FFE];
	_ =	sdelay $0x1  }
0x8a: {  	s1 =	srdreg.scid  }
0x8b: {  	s0 =	sand.u32 $0x1, s1  }
0x8c: {  	s17 =	sshll.u32 s0, $0xA;
	s2 =	sadd.s32 s3, s2  }
0x8d: {  	s2 =	sadd.s32 s2, s17  }
0x8e: {  	[smem:$0x3FC3] =	sst s2  }
0x8f: {  	_ = 	snop  }
0x90: {  	s2 =	sld [smem:$0x3FC9]  }
0x91: {  	s18 =	sld [smem:$0x3FC8]  }
0x92: {  	s4 =	sld [smem:$0x3FC7]  }
0x93: {  	s5 =	sld [smem:$0x3FC6];
	(tm) =	ssettm $0x1  }
0x94: {  	s6 =	sld [smem:$0x3FFB];
	_ =	sdelay $0x3  }
0x95: {  	_ =	strace s6  }
0x96: {  	s6 =	sld [smem:$0x3FFC];
	_ =	sdelay $0x3  }
0x97: {  	_ =	strace s6  }
0x98: {  	s6 =	sld [smem:$0x3FFD];
	_ =	sdelay $0x3  }
0x99: {  	_ =	strace s6  }
0x9a: {  	_ =	strace $0x8FFFFFFF  }
0x9b: {  	s19 =	sld [smem:$0x3FDB];
	_ =	sdelay $0x1  }
0x9c: {  	s7 =	simm.s32 $_scs_section_size  }
0x9d: {  	s8 =	simm.s32 $_size__tile_overlayer_lowered;
	s9 =	simm.s32 $_tile_overlayer_lowered  }
0x9e: {  	s22 =	simm.s32 $0x1BFF;
	s21 =	sshll.u32 s9, $0x1;
	s6 =	sadd.s32 s7, s19  }
0x9f: {  	s10 =	simm.s32 $0x0;
	s20 =	sshll.u32 s8, $0x1;
	s8 =	sadd.s32 s21, s6  }
0xa0: {  	[timem:s10], [sflag:s22] =	dma.local [hbm:s8], s20  }
0xa1: {  	_ =	swait.ge [sflag:s22], s20  }
0xa2: {  	s7 =	ssub.s32 $0x0, s20;
	[sflag:s22] =	ssyncset.done $0x0  }
0xa3: {  	[sflag:s22] =	ssyncadd.s32 s7;
	_ =	sdelay $0x1  }
0xa4: {  	s23 =	simm.s32 $0x1B8B  }
0xa5: {  	_ =	swait.ge [sflag:s23], $0x1  }
0xa6: {  	[sflag:s23] =	ssyncset.done $0x0  }
0xa7: {  	s25 =	simm.s32 $0x1B8E;
	s24 =	sld [smem:$0x3FFE];
	[sflag:s23] =	ssyncadd.s32 $0xFFFFFFFF  }
0xa8: {  	s26 =	simm.s32 $execute0_lowered;
	[smem:$0x3FD2] =	sst s25  }
0xa9: {  	s8 =	sshll.u32 s26, $0x1;
	_ =	strace $0x80000046;
	[dreg:$0x1] =	wrdreg $0xFFFFFFFF  }
0xaa: {  	s28 =	simm.s32 $_size_execute0_lowered;
	s6 =	sadd.s32 s6, s8;
	[dreg:$0x0] =	wrdreg $0x0  }
0xab: {  	s8 =	sshll.u32 s28, $0x1;
	[dreg:$0x2] =	wrdreg s6  }
0xac: {  	[dreg:$0x3] =	wrdreg s8  }
0xad: {  	[dreg:$0x4] =	wrdreg $0xC0  }
0xae: {  	_ =	task [dreg:s10], $0x5FFFF  }
0xaf: {  	[dreg:$0x1] =	wrdreg $0xFFFFFFFF  }
0xb0: {  	[dreg:$0x0] =	wrdreg $0x60  }
0xb1: {  	[dreg:$0x2] =	wrdreg s2  }
0xb2: {  	[dreg:$0x3] =	wrdreg s18  }
0xb3: {  	[dreg:$0x4] =	wrdreg s4  }
0xb4: {  	[dreg:$0x5] =	wrdreg s5  }
0xb5: {  	[dreg:$0x6] =	wrdreg s24  }
0xb6: {  	[dreg:$0x7] =	wrdreg $0x9  }
0xb7: {  	_ =	task.clear_ibuf [dreg:s10], $0x8FFFF;
	_ =	strace $0x90000046  }
0xb8: {  	s29 =	simm.s32 $0x9;
	_ =	strace $0x80000048  }
0xb9: {  	_ =	swait.ge [sflag:s29], $0x1  }
0xba: {  	[sflag:s29] =	ssyncadd.s32 $0xFFFFFFFF  }
0xbb: {  	_ =	strace $0x90000048  }
0xbc: {  	_ =	sfence  }
0xbd: {  	s30 =	sld [smem:$0x0];
	_ =	sdelay $0x2  }
0xbe: {  	s31 =	sshll.u32 s1, $0xD;
	s1 =	sshrl.u32 s1, $0x2  }
0xbf: {  	s3 =	sand.u32 $0x4000, s31;
	s1 =	sadd.s32 s1, s30  }
0xc0: {  	s0 =	sor.u32 s3, s0;
	s1 =	sshll.u32 s1, $0x11  }
0xc1: {  	s0 =	sor.u32 s1, s0  }
0xc2: {  	s0 =	sadd.s32 $0x8F2B, s0  }
0xc3: {  	[sflag:s0] =	ssyncadd.remote.s32 $0x1  }
0xc4: {  	_ =	sfence.sel $0xFFFF  }
0xc5: {  	[dreg:$0x0] =	wrdreg $0xFFFFFFFF;
	(pc) =	sbr.abs _section_cstart, $3  }
0xc6: {  	[dreg:$0x1] =	wrdreg $0xFFFFFFFF  }
0xc7: {  	_ =	task.clear_ibuf [dreg:s10], $0x2FFFF;
	_ =	strace $0x9FFFFFFF  }
0xc8: {  	(tm) =	ssettm $0x7FFFFFFF  }
0xc9: {  	_ =	shalt  }
tec
execute0_lowered:
.L_overlay_start_1:
0x0: {  	(tag) =	ssettag $0x1  }
0x1: {  	s0 =	rddreg [dreg:$0x1]  }
0x2: {  	s1 =	rddreg [dreg:$0x2]  }
0x3: {  	s2 =	rddreg [dreg:$0x3]  }
0x4: {  	s8 =	stileid.u32;
	s3 =	srdreg.scid  }
0x5: {  	s4 =	rddreg [dreg:$0x4];
	s5 =	sand.u32 $0x1, s3;
	s6 =	sshll.u32 s8, $0x1  }
0x6: {  	s3 =	simm.s32 $0x0;
	s8 =	sshll.u32 s8, $0xC;
	s29 =	sadd.s32 $0x47D7E, s0  }
0x7: {  	s30 =	sadd.s32 $0x47D7E, s1;
	s31 =	sadd.s32 $0x47D7E, s2;
	s6 =	sor.u32 s5, s6  }
0x8: {  	[smem:$0x7FF] =	sst s3;
	s8 =	sand.u32 $0xC000, s8;
	s7 =	smul.u32 $0x2410, s6  }
0x9: {  	s5 =	ssub.s32 $0x2, s5;
	_ =	strace $0x80000047;
	s4 =	sadd.s32 s8, s4  }
0xa: {  	s15 =	sshrl.u32 s5, $0x1;
	s16 =	smul.u32 $0x482, s6;
	s7 =	sshrl.u32 s7, $0x3  }
0xb: {  	s12 =	sshll.u32 s6, $0x4;
	p0 =	seq.s32 s6, $0x1F;
	s9 =	sadd.s32 $0x9040, s7  }
0xc: {  	s6 =	simm.s32 $0x2;
	s8 =	simm.s32 $0xAD80;
	s10 =	sadd.s32 s0, s9  }
0xd: {  	s5 =	ssub.s32 s5, s15;
	s18 =	sadd.s32 s1, s9;
	[dreg:$0x6] =	wrdreg s10  }
0xe: {  	s19 =	sadd.s32 $0x12080, s7;
	s9 =	sadd.s32 s2, s9;
	[dreg:$0x7] =	wrdreg s18  }
0xf: {  	s22 =	sadd.s32 $0x1B0C0, s7;
	s20 =	sadd.s32 s0, s19;
	[dreg:$0x8] =	wrdreg s9  }
0x10: {  	s26 =	sadd.s32 $0x24100, s7;
	s21 =	sadd.s32 s1, s19;
	[dreg:$0x9] =	wrdreg s20  }
0x11: {  	s14 =	sadd.s32 $0x2D140, s7;
	s23 =	sadd.s32 s0, s22;
	[dreg:$0xa] =	wrdreg s21  }
0x12: {  	s7 =	sadd.s32 $0x36180, s7;
	s24 =	sadd.s32 s1, s22;
	[dreg:$0xc] =	wrdreg s23  }
0x13: {  	s25 =	sadd.s32 s2, s22;
	s11 =	sadd.s32 s0, s26;
	[dreg:$0xd] =	wrdreg s24  }
0x14: {  	s13 =	sadd.s32 s1, s26;
	s15 =	sadd.s32 s0, s14;
	[dreg:$0xe] =	wrdreg s25  }
0x15: {  	s17 =	sadd.s32 s1, s14;
	s22 =	sadd.s32 s0, s16;
	[dreg:$0xf] =	wrdreg s11  }
0x16: {  	s9 =	sadd.s32 s2, s19;
	[dreg:$0x10] =	wrdreg s13;
	s10 =	sand.u32 $0x70, s12  }
0x17: {  	[dreg:$0x12] =	wrdreg s15;
	s18 =	sadd.s32 s2, s14;
	s19 =	sadd.s32 s0, s7  }
0x18: {  	s20 =	sadd.s32 s1, s7;
	s21 =	sadd.s32 s2, s7;
	s23 =	sadd.s32 s1, s16  }
0x19: {  	s24 =	sadd.s32 s2, s16;
	s16 =	sadd.s32 $0x3F1C0, s16;
	s7 =	simm.s32 $0x6480  }
0x1a: {  	s11 =	simm.s32 $0x11B00;
	s12 =	simm.s32 $0x3;
	s13 =	simm.s32 $0x0  }
.Ltmp0:
0x1b: {  	[dreg:$0xb] =	wrdreg s9;
	s9 =	sadd.s32 s2, s26;
	(pc) =	sbr.rel .LBB2_1-.Ltmp0, $4  }
0x1c: {  	v0 =	vlaneseq.u32;
	s4 =	sadd.s32 s10, s4;
	s25 =	sadd.s32 s0, s16;
	s26 =	sadd.s32 s1, s16  }
0x1d: {  	v0 =	vmul.u32 $0x241, v0;
	s28 =	sadd.s32 s2, s16;
	s0 =	smax.u32 s5, $0x1;
	s1 =	simm.s32 $0x4000  }
0x1e: {  	s5 =	simm.s32 $0xD200;
	s10 =	simm.s32 $0x1;
	[dreg:$0x11] =	wrdreg s9  }
0x1f: {  	v1 =	vimm.f32 $0.0e+00;
	v2 =	vadd.s32 $0x240, v0;
	s2 =	sadd.s32 $0x800, s4;
	s4 =	simm.s32 $0x8900;
	s9 =	simm.s32 $0xF680  }
.LBB2_20:
0x20: {  	_ =	sdelay $0x3  }
0x21: {  	v18 =	vld.idx.msk [tilespmem:v9+s7+$0x0], $0xffff  }
0x22: {  	v53 =	vld.idx.msk [tilespmem:v9+s9+$0x0], $0xffff  }
0x23: {  	v11 =	vld.idx.msk [tilespmem:v11+s3+$0x0], $0xffff  }
0x24: {  	v20 =	vld.idx.msk [tilespmem:v15+s8+$0x0], $0xffff  }
0x25: {  	s14 =	sadd.s32 $0x1, s14;
	v21 =	vld.idx.msk [tilespmem:v10+s9+$0x0], $0xffff  }
0x26: {  	v54 =	vld.idx.msk [tilespmem:v10+s7+$0x0], $0xffff;
	v19 =	vadd.s32 s14, v0  }
0x27: {  	v17 =	vadd.f32 v16, v17;
	v13 =	vld.idx.msk [tilespmem:v13+s3+$0x0], $0xffff  }
0x28: {  	vm1 =	vne.s32 v4, v5;
	v12 =	vmul.f32 v14, v12;
	v56 =	vld.idx.msk [tilespmem:v15+s7+$0x0], $0xffff  }
0x29: {  	vm2 =	vne.s32 v8, v4;
	v57 =	vld.idx.msk [tilespmem:v15+s9+$0x0], $0xffff;
	v16 =	vsel vm1, v16, v17  }
0x2a: {  	[tilespmem:v3+s11+$0x0] =	vst.idx.add.f32.msk vm0, v6;
	vm3 =	vmmov vm2;
	v22 =	vadd.f32 v12, v16  }
0x2b: {  	v9 =	vmul.f32 v11, v53;
	vm4 =	vne.s32 v18, v8;
	v23 =	vld.idx.msk [tilespmem:v19+s7+$0x0], $0xffff  }
0x2c: {  	vm5 =	vne.s32 v54, v18;
	v12 =	vsel vm2, v12, v22;
	v58 =	vld.idx.msk [tilespmem:v20+s3+$0x0], $0xffff  }
0x2d: {  	v55 =	vld.idx.msk [tilespmem:v19+s8+$0x0], $0xffff;
	v3 =	vadd.f32 v9, v12  }
0x2e: {  	v59 =	vmul.f32 v13, v21;
	vm12 =	vne.s32 v56, v54  }
0x2f: {  	[tilespmem:v5+s11+$0x0] =	vst.idx.add.f32.msk vm1, v7;
	v3 =	vsel vm4, v9, v3  }
0x30: {  	[tilespmem:v4+s11+$0x0] =	vst.idx.add.f32.msk vm3, v16;
	v60 =	vadd.f32 v59, v3;
	vm13 =	vne.s32 v23, v56  }
0x31: {  	[tilespmem:v8+s11+$0x0] =	vst.idx.add.f32.msk vm4, v12;
	v61 =	vmul.f32 v58, v57  }
0x32: {  	[tilespmem:v18+s11+$0x0] =	vst.idx.add.f32.msk vm5, v3;
	v5 =	vsel vm5, v59, v60  }
0x33: {  	v3 =	vld.idx.msk [tilespmem:v19+s9+$0x0], $0xffff;
	v6 =	vadd.f32 v61, v5  }
0x34: {  	[tilespmem:v54+s11+$0x0] =	vst.idx.add.f32.msk vm12, v5  }
0x35: {  	v62 =	vld.idx.msk [tilespmem:v55+s3+$0x0], $0xffff;
	v4 =	vsel vm12, v61, v6  }
0x36: {  	[tilespmem:v56+s11+$0x0] =	vst.idx.add.f32.msk vm13, v4  }
0x37: {  	v5 =	vld.idx.msk [tilespmem:v2+s8+$0x0], $0xffff;
	_ =	sdelay $0x5  }
0x38: {  	v63 =	vld.idx.msk [tilespmem:v2+s7+$0x0], $0xffff  }
0x39: {  	v8 =	vld.idx.msk [tilespmem:v2+s9+$0x0], $0xffff  }
0x3a: {  	v5 =	vld.idx.msk [tilespmem:v5+s3+$0x0], $0xffff;
	_ =	sdelay $0x1  }
0x3b: {  	v3 =	vmul.f32 v62, v3  }
0x3c: {  	vm15 =	vne.s32 v63, v23  }
0x3d: {  	v4 =	vadd.f32 v3, v4  }
0x3e: {  	v5 =	vmul.f32 v5, v8  }
0x3f: {  	v3 =	vsel vm13, v3, v4  }
0x40: {  	v4 =	vadd.f32 v5, v3;
	_ =	sdelay $0x1  }
0x41: {  	[tilespmem:v23+s11+$0x0] =	vst.idx.add.f32.msk vm15, v3;
	v3 =	vsel vm15, v5, v4  }
0x42: {  	vm11 =	vmmov vm5;
	vm14 =	vmmov vm13;
	[tilespmem:v63+s11+$0x0] =	vst.idx.add.f32.msk $0xffff, v3  }
.LBB2_24:
0x43: {  	s13 =	sadd.s32 $0x1, s13  }
0x44: {  	p1 =	sne.s32 s13, s0  }
.Ltmp1:
0x45: {  	s14 =	simm.s32 $0x80;
	s15 =	simm.s32 $0x400;
	(pc) =	sbr.rel @!p1 .LBB2_25-.Ltmp1, $4  }
0x46: {  	[hbm4b:s2+s14] =	stream.strided.scatter [tilespmem:s11], [sflag:$0x3], $0x4000, s15, s14, $0x38;
	[tilespmem:$0x15B00] =	vst v63  }
0x47: {  	_ =	swait.ge [sflag:s12], $0x4000  }
0x48: {  	[sflag:s12] =	ssyncset.done $0x0  }
0x49: {  	[sflag:s12] =	ssyncadd.s32 $0xFFFFC000  }
.LBB2_1:
0x4a: {  	[tilespmem:s1], [sflag:$0x1] =	stream.linear.gather [hbm4b:s22+s3], $0x2410, $0x38;
	[tilespmem:$0x15B00] =	vst v63  }
0x4b: {  	_ = 	snop  }
0x4c: {  	[tilespmem:s4], [sflag:$0x1] =	stream.linear.gather [hbm4b:s23+s3], $0x2410, $0x38;
	[tilespmem:$0x15B00] =	vst v63  }
0x4d: {  	_ = 	snop  }
0x4e: {  	[tilespmem:s5], [sflag:$0x1] =	stream.linear.gather [hbm4b:s24+s3], $0x2410, $0x38;
	[tilespmem:$0x15B00] =	vst v63  }
0x4f: {  	s14 =	rddreg [dreg:$0x0]  }
0x50: {  	[tilespmem:s3], [sflag:$0x2] =	stream.linear.gather [hbm4b:s14+s3], $0x4000, $0x38;
	[tilespmem:$0x15B00] =	vst v63  }
0x51: {  	s15 =	simm.s32 $0x0;
	s14 =	simm.s32 $0x40  }
.LBB2_2:
0x52: {  	p1 =	sne.s32 s14, $0xFFC0;
	[tilespmem:s15+$0x11B00] =	vst v1;
	s15 =	smov.u32 s14;
	s14 =	sadd.s32 $0x40, s14  }
.Ltmp2:
0x53: {  	(pc) =	sbr.rel @p1 .LBB2_2-.Ltmp2, $2  }
0x54: {  	_ =	sdelay $0x2  }
0x55: {  	s15 =	sshra.s32 s15, $0x2  }
0x56: {  	[tilespmem:s15+$0x11B00] =	vst v1  }
0x57: {  	_ =	swait.ge [sflag:s6], $0x4000  }
0x58: {  	[sflag:s6] =	ssyncset.done $0x0  }
0x59: {  	s14 =	simm.s32 $0x0;
	s16 =	rddreg [dreg:$0x6];
	[sflag:s6] =	ssyncadd.s32 $0xFFFFC000  }
0x5a: {  	[tilespmem:s7], [sflag:$0x2] =	stream.linear.gather [hbm4b:s16+s14], $0x2410, $0x38;
	[tilespmem:$0x15B00] =	vst v63  }
0x5b: {  	s16 =	rddreg [dreg:$0x7]  }
0x5c: {  	[tilespmem:s8], [sflag:$0x2] =	stream.linear.gather [hbm4b:s16+s14], $0x2410, $0x38;
	[tilespmem:$0x15B00] =	vst v63  }
0x5d: {  	s16 =	rddreg [dreg:$0x8]  }
0x5e: {  	[tilespmem:s9], [sflag:$0x2] =	stream.linear.gather [hbm4b:s16+s14], $0x2410, $0x38;
	[tilespmem:$0x15B00] =	vst v63  }
0x5f: {  	_ =	swait.ge [sflag:s10], $0x2410  }
0x60: {  	[sflag:s10] =	ssyncset.done $0x0  }
0x61: {  	[sflag:s10] =	ssyncadd.s32 $0xFFFFDBF0  }
0x62: {  	_ =	swait.ge [sflag:s10], $0x2410  }
0x63: {  	v4 =	vadd.s32 s14, v0;
	[sflag:s10] =	ssyncset.done $0x0  }
0x64: {  	[sflag:s10] =	ssyncadd.s32 $0xFFFFDBF0  }
0x65: {  	s16 =	simm.s32 $0x1;
	_ =	swait.ge [sflag:s10], $0x2410  }
0x66: {  	v5 =	vadd.s32 s16, v0;
	[sflag:s10] =	ssyncset.done $0x0  }
0x67: {  	s15 =	simm.s32 $0x2;
	[sflag:s10] =	ssyncadd.s32 $0xFFFFDBF0  }
0x68: {  	v7 =	vadd.s32 s15, v0;
	v6 =	vld.idx.msk [tilespmem:v4+s4+$0x0], $0xffff;
	_ =	sdelay $0x2  }
0x69: {  	v8 =	vld.idx.msk [tilespmem:v5+s4+$0x0], $0xffff  }
0x6a: {  	s16 =	simm.s32 $0x3;
	v18 =	vld.idx.msk [tilespmem:v0+s1+$0x0], $0xffff  }
0x6b: {  	v15 =	vadd.s32 s16, v0;
	v11 =	vld.idx.msk [tilespmem:v7+s4+$0x0], $0xffff  }
0x6c: {  	v3 =	vld.idx.msk [tilespmem:v4+s1+$0x0], $0xffff  }
0x6d: {  	v4 =	vld.idx.msk [tilespmem:v4+s5+$0x0], $0xffff  }
0x6e: {  	v6 =	vld.idx.msk [tilespmem:v6+s3+$0x0], $0xffff  }
0x6f: {  	v12 =	vld.idx.msk [tilespmem:v5+s5+$0x0], $0xffff  }
0x70: {  	s15 =	simm.s32 $0x4;
	v13 =	vld.idx.msk [tilespmem:v15+s4+$0x0], $0xffff  }
0x71: {  	v9 =	vadd.s32 s15, v0;
	v8 =	vld.idx.msk [tilespmem:v8+s3+$0x0], $0xffff  }
0x72: {  	v5 =	vld.idx.msk [tilespmem:v5+s1+$0x0], $0xffff  }
0x73: {  	s16 =	simm.s32 $0x5;
	v16 =	vld.idx.msk [tilespmem:v11+s3+$0x0], $0xffff;
	v6 =	vmul.f32 v6, v4  }
0x74: {  	v19 =	vimm.f32 $0.0e+00;
	v10 =	vadd.s32 s16, v0;
	v4 =	vld.idx.msk [tilespmem:v7+s1+$0x0], $0xffff  }
0x75: {  	vm1 =	vne.s32 v3, v18;
	v7 =	vld.idx.msk [tilespmem:v7+s5+$0x0], $0xffff;
	v14 =	vadd.f32 v6, v19  }
0x76: {  	v11 =	vld.idx.msk [tilespmem:v9+s4+$0x0], $0xffff;
	v8 =	vmul.f32 v8, v12  }
0x77: {  	v12 =	vld.idx.msk [tilespmem:v15+s5+$0x0], $0xffff;
	v6 =	vsel vm1, v6, v14  }
0x78: {  	v14 =	vld.idx.msk [tilespmem:v13+s3+$0x0], $0xffff;
	v17 =	vadd.f32 v8, v6  }
0x79: {  	vm0 =	vne.s32 v5, v3;
	v13 =	vld.idx.msk [tilespmem:v10+s4+$0x0], $0xffff  }
0x7a: {  	s14 =	simm.s32 $0x6;
	v16 =	vmul.f32 v16, v7;
	v17 =	vsel vm0, v8, v17;
	v8 =	vld.idx.msk [tilespmem:v15+s1+$0x0], $0xffff  }
0x7b: {  	s15 =	simm.s32 $0x8;
	[tilespmem:v18+s11+$0x0] =	vst.idx.add.f32.msk vm1, v19;
	vm0 =	vmmov vm0;
	v15 =	vadd.s32 s14, v0;
	v7 =	vmov v17  }
.LBB2_4:
0x7c: {  	p1 =	slt.u32 s15, $0x23E;
	v18 =	vld.idx.msk [tilespmem:v9+s1+$0x0], $0xffff;
	v17 =	vadd.f32 v16, v17  }
0x7d: {  	s16 =	sadd.s32 $0x1, s14;
	vm1 =	vne.s32 v4, v5;
	v20 =	vmul.f32 v14, v12;
	s14 =	smov.u32 s15;
	v19 =	vld.idx.msk [tilespmem:v9+s5+$0x0], $0xffff;
	v9 =	vmov v15  }
0x7e: {  	v21 =	vadd.s32 s16, v0;
	v22 =	vld.idx.msk [tilespmem:v11+s3+$0x0], $0xffff;
	v16 =	vsel vm1, v16, v17  }
0x7f: {  	v23 =	vmov v5;
	v11 =	vld.idx.msk [tilespmem:v15+s4+$0x0], $0xffff;
	v15 =	vadd.f32 v20, v16;
	v5 =	vmov v8  }
0x80: {  	vm2 =	vne.s32 v8, v4;
	v12 =	vld.idx.msk [tilespmem:v10+s5+$0x0], $0xffff  }
.Ltmp3:
0x81: {  	v14 =	vld.idx.msk [tilespmem:v13+s3+$0x0], $0xffff;
	v17 =	vsel vm2, v20, v15;
	(pc) =	sbr.rel @p1 .LBB2_4-.Ltmp3, $4  }
0x82: {  	[tilespmem:v3+s11+$0x0] =	vst.idx.add.f32.msk vm0, v6;
	v3 =	vmovc v4;
	v4 =	vmov v18;
	v6 =	vmov v16;
	vm0 =	vmmov vm2  }
0x83: {  	v13 =	vld.idx.msk [tilespmem:v21+s4+$0x0], $0xffff  }
0x84: {  	v15 =	vadd.s32 s15, v0;
	v16 =	vmul.f32 v22, v19;
	v8 =	vld.idx.msk [tilespmem:v10+s1+$0x0], $0xffff;
	v10 =	vmov v21  }
0x85: {  	s15 =	sadd.s32 $0x2, s15;
	[tilespmem:v23+s11+$0x0] =	vst.idx.add.f32.msk vm1, v7;
	v7 =	vmov v17  }
0x86: {  	_ =	sdelay $0x3  }
0x87: {  	v18 =	vld.idx.msk [tilespmem:v9+s1+$0x0], $0xffff  }
0x88: {  	v9 =	vld.idx.msk [tilespmem:v9+s5+$0x0], $0xffff  }
0x89: {  	v11 =	vld.idx.msk [tilespmem:v11+s3+$0x0], $0xffff  }
0x8a: {  	v20 =	vld.idx.msk [tilespmem:v15+s4+$0x0], $0xffff  }
0x8b: {  	s14 =	sadd.s32 $0x1, s14;
	v21 =	vld.idx.msk [tilespmem:v10+s5+$0x0], $0xffff  }
0x8c: {  	v10 =	vld.idx.msk [tilespmem:v10+s1+$0x0], $0xffff;
	v19 =	vadd.s32 s14, v0  }
0x8d: {  	v17 =	vadd.f32 v16, v17;
	[tilespmem:v3+s11+$0x0] =	vst.idx.add.f32.msk vm0, v6  }
0x8e: {  	vm1 =	vne.s32 v4, v5;
	v12 =	vmul.f32 v14, v12;
	v13 =	vld.idx.msk [tilespmem:v13+s3+$0x0], $0xffff  }
0x8f: {  	v16 =	vsel vm1, v16, v17;
	v17 =	vld.idx.msk [tilespmem:v15+s1+$0x0], $0xffff;
	vm2 =	vne.s32 v8, v4  }
0x90: {  	v22 =	vadd.f32 v12, v16;
	vm3 =	vmmov vm2;
	v9 =	vmul.f32 v11, v9;
	v11 =	vld.idx.msk [tilespmem:v15+s5+$0x0], $0xffff  }
0x91: {  	vm4 =	vne.s32 v18, v8;
	v23 =	vld.idx.msk [tilespmem:v19+s1+$0x0], $0xffff  }
0x92: {  	vm5 =	vne.s32 v10, v18;
	v12 =	vsel vm2, v12, v22;
	v15 =	vld.idx.msk [tilespmem:v20+s3+$0x0], $0xffff  }
0x93: {  	v14 =	vld.idx.msk [tilespmem:v19+s4+$0x0], $0xffff;
	v3 =	vadd.f32 v9, v12  }
0x94: {  	[tilespmem:v5+s11+$0x0] =	vst.idx.add.f32.msk vm1, v7;
	v5 =	vmul.f32 v13, v21;
	vm0 =	vne.s32 v17, v10  }
0x95: {  	v3 =	vsel vm4, v9, v3  }
0x96: {  	v6 =	vadd.f32 v5, v3;
	[tilespmem:v4+s11+$0x0] =	vst.idx.add.f32.msk vm3, v16;
	vm1 =	vne.s32 v23, v17  }
0x97: {  	[tilespmem:v8+s11+$0x0] =	vst.idx.add.f32.msk vm4, v12;
	v4 =	vmul.f32 v15, v11  }
0x98: {  	[tilespmem:v18+s11+$0x0] =	vst.idx.add.f32.msk vm5, v3;
	v5 =	vsel vm5, v5, v6  }
0x99: {  	v3 =	vld.idx.msk [tilespmem:v19+s5+$0x0], $0xffff;
	v6 =	vadd.f32 v4, v5  }
0x9a: {  	[tilespmem:v10+s11+$0x0] =	vst.idx.add.f32.msk vm0, v5  }
0x9b: {  	v7 =	vld.idx.msk [tilespmem:v14+s3+$0x0], $0xffff;
	v4 =	vsel vm0, v4, v6  }
0x9c: {  	[tilespmem:v17+s11+$0x0] =	vst.idx.add.f32.msk vm1, v4  }
0x9d: {  	v5 =	vld.idx.msk [tilespmem:v2+s4+$0x0], $0xffff;
	_ =	sdelay $0x5  }
0x9e: {  	v6 =	vld.idx.msk [tilespmem:v2+s1+$0x0], $0xffff  }
0x9f: {  	s14 =	simm.s32 $0x0;
	v8 =	vld.idx.msk [tilespmem:v2+s5+$0x0], $0xffff  }
0xa0: {  	v5 =	vld.idx.msk [tilespmem:v5+s14+$0x0], $0xffff;
	_ =	sdelay $0x1  }
0xa1: {  	v3 =	vmul.f32 v7, v3  }
0xa2: {  	vm0 =	vne.s32 v6, v23  }
0xa3: {  	v4 =	vadd.f32 v3, v4  }
0xa4: {  	v5 =	vmul.f32 v5, v8  }
0xa5: {  	v3 =	vsel vm1, v3, v4  }
0xa6: {  	v4 =	vadd.f32 v5, v3;
	_ =	sdelay $0x1  }
0xa7: {  	[tilespmem:v23+s11+$0x0] =	vst.idx.add.f32.msk vm0, v3;
	v3 =	vsel vm0, v5, v4  }
0xa8: {  	s15 =	rddreg [dreg:$0x9];
	[tilespmem:v6+s11+$0x0] =	vst.idx.add.f32.msk $0xffff, v3  }
0xa9: {  	[tilespmem:s1], [sflag:$0x1] =	stream.linear.gather [hbm4b:s15+s14], $0x2410, $0x38;
	[tilespmem:$0x15B00] =	vst v63  }
0xaa: {  	s16 =	rddreg [dreg:$0xa]  }
0xab: {  	[tilespmem:s4], [sflag:$0x1] =	stream.linear.gather [hbm4b:s16+s14], $0x2410, $0x38;
	[tilespmem:$0x15B00] =	vst v63  }
0xac: {  	s16 =	rddreg [dreg:$0xb]  }
0xad: {  	[tilespmem:s5], [sflag:$0x1] =	stream.linear.gather [hbm4b:s16+s14], $0x2410, $0x38;
	[tilespmem:$0x15B00] =	vst v63  }
0xae: {  	_ =	swait.ge [sflag:s6], $0x2410  }
0xaf: {  	[sflag:s6] =	ssyncset.done $0x0  }
0xb0: {  	[sflag:s6] =	ssyncadd.s32 $0xFFFFDBF0  }
0xb1: {  	_ =	swait.ge [sflag:s6], $0x2410  }
0xb2: {  	v4 =	vadd.s32 s14, v0;
	[sflag:s6] =	ssyncset.done $0x0  }
0xb3: {  	[sflag:s6] =	ssyncadd.s32 $0xFFFFDBF0  }
0xb4: {  	s16 =	simm.s32 $0x1;
	_ =	swait.ge [sflag:s6], $0x2410  }
0xb5: {  	v5 =	vadd.s32 s16, v0;
	[sflag:s6] =	ssyncset.done $0x0  }
0xb6: {  	s15 =	simm.s32 $0x2;
	[sflag:s6] =	ssyncadd.s32 $0xFFFFDBF0  }
0xb7: {  	v7 =	vadd.s32 s15, v0;
	v6 =	vld.idx.msk [tilespmem:v4+s8+$0x0], $0xffff;
	_ =	sdelay $0x2  }
0xb8: {  	v8 =	vld.idx.msk [tilespmem:v5+s8+$0x0], $0xffff  }
0xb9: {  	s16 =	simm.s32 $0x3;
	v18 =	vld.idx.msk [tilespmem:v0+s7+$0x0], $0xffff  }
0xba: {  	v15 =	vadd.s32 s16, v0;
	v11 =	vld.idx.msk [tilespmem:v7+s8+$0x0], $0xffff  }
0xbb: {  	v3 =	vld.idx.msk [tilespmem:v4+s7+$0x0], $0xffff  }
0xbc: {  	v4 =	vld.idx.msk [tilespmem:v4+s9+$0x0], $0xffff  }
0xbd: {  	v6 =	vld.idx.msk [tilespmem:v6+s3+$0x0], $0xffff  }
0xbe: {  	v12 =	vld.idx.msk [tilespmem:v5+s9+$0x0], $0xffff  }
0xbf: {  	s15 =	simm.s32 $0x4;
	v13 =	vld.idx.msk [tilespmem:v15+s8+$0x0], $0xffff  }
0xc0: {  	v9 =	vadd.s32 s15, v0;
	v8 =	vld.idx.msk [tilespmem:v8+s3+$0x0], $0xffff  }
0xc1: {  	v5 =	vld.idx.msk [tilespmem:v5+s7+$0x0], $0xffff  }
0xc2: {  	s16 =	simm.s32 $0x5;
	v16 =	vld.idx.msk [tilespmem:v11+s3+$0x0], $0xffff;
	v6 =	vmul.f32 v6, v4  }
0xc3: {  	v19 =	vimm.f32 $0.0e+00;
	v10 =	vadd.s32 s16, v0;
	v4 =	vld.idx.msk [tilespmem:v7+s7+$0x0], $0xffff  }
0xc4: {  	vm3 =	vmmov vm1;
	vm1 =	vne.s32 v3, v18;
	v7 =	vld.idx.msk [tilespmem:v7+s9+$0x0], $0xffff;
	v14 =	vadd.f32 v6, v19  }
0xc5: {  	v11 =	vld.idx.msk [tilespmem:v9+s8+$0x0], $0xffff;
	v8 =	vmul.f32 v8, v12  }
0xc6: {  	v12 =	vld.idx.msk [tilespmem:v15+s9+$0x0], $0xffff;
	v6 =	vsel vm1, v6, v14  }
0xc7: {  	v14 =	vld.idx.msk [tilespmem:v13+s3+$0x0], $0xffff;
	v17 =	vadd.f32 v8, v6  }
0xc8: {  	vm0 =	vne.s32 v5, v3;
	v13 =	vld.idx.msk [tilespmem:v10+s8+$0x0], $0xffff  }
0xc9: {  	s14 =	simm.s32 $0x6;
	v16 =	vmul.f32 v16, v7;
	v17 =	vsel vm0, v8, v17;
	v8 =	vld.idx.msk [tilespmem:v15+s7+$0x0], $0xffff  }
0xca: {  	vm2 =	vmmov vm5;
	s15 =	simm.s32 $0x8;
	[tilespmem:v18+s11+$0x0] =	vst.idx.add.f32.msk vm1, v19;
	vm0 =	vmmov vm0;
	v15 =	vadd.s32 s14, v0;
	v7 =	vmovc v17  }
.LBB2_6:
0xcb: {  	p1 =	slt.u32 s15, $0x23E;
	v18 =	vld.idx.msk [tilespmem:v9+s7+$0x0], $0xffff;
	v17 =	vadd.f32 v16, v17  }
0xcc: {  	s16 =	sadd.s32 $0x1, s14;
	vm1 =	vne.s32 v4, v5;
	v20 =	vmul.f32 v14, v12;
	s14 =	smov.u32 s15;
	v19 =	vld.idx.msk [tilespmem:v9+s9+$0x0], $0xffff;
	v9 =	vmov v15  }
0xcd: {  	v21 =	vadd.s32 s16, v0;
	v22 =	vld.idx.msk [tilespmem:v11+s3+$0x0], $0xffff;
	v16 =	vsel vm1, v16, v17  }
0xce: {  	v23 =	vmov v5;
	v11 =	vld.idx.msk [tilespmem:v15+s8+$0x0], $0xffff;
	v15 =	vadd.f32 v20, v16;
	v5 =	vmov v8  }
0xcf: {  	vm2 =	vne.s32 v8, v4;
	v12 =	vld.idx.msk [tilespmem:v10+s9+$0x0], $0xffff  }
.Ltmp4:
0xd0: {  	v14 =	vld.idx.msk [tilespmem:v13+s3+$0x0], $0xffff;
	v17 =	vsel vm2, v20, v15;
	(pc) =	sbr.rel @p1 .LBB2_6-.Ltmp4, $4  }
0xd1: {  	[tilespmem:v3+s11+$0x0] =	vst.idx.add.f32.msk vm0, v6;
	v3 =	vmovc v4;
	v4 =	vmov v18;
	v6 =	vmov v16;
	vm0 =	vmmov vm2  }
0xd2: {  	v13 =	vld.idx.msk [tilespmem:v21+s8+$0x0], $0xffff  }
0xd3: {  	v15 =	vadd.s32 s15, v0;
	v16 =	vmul.f32 v22, v19;
	v8 =	vld.idx.msk [tilespmem:v10+s7+$0x0], $0xffff;
	v10 =	vmov v21  }
0xd4: {  	s15 =	sadd.s32 $0x2, s15;
	[tilespmem:v23+s11+$0x0] =	vst.idx.add.f32.msk vm1, v7;
	v7 =	vmov v17  }
0xd5: {  	_ =	sdelay $0x3  }
0xd6: {  	v18 =	vld.idx.msk [tilespmem:v9+s7+$0x0], $0xffff  }
0xd7: {  	v9 =	vld.idx.msk [tilespmem:v9+s9+$0x0], $0xffff  }
0xd8: {  	v11 =	vld.idx.msk [tilespmem:v11+s3+$0x0], $0xffff  }
0xd9: {  	v20 =	vld.idx.msk [tilespmem:v15+s8+$0x0], $0xffff  }
0xda: {  	s14 =	sadd.s32 $0x1, s14;
	v21 =	vld.idx.msk [tilespmem:v10+s9+$0x0], $0xffff  }
0xdb: {  	v10 =	vld.idx.msk [tilespmem:v10+s7+$0x0], $0xffff;
	v19 =	vadd.s32 s14, v0  }
0xdc: {  	v17 =	vadd.f32 v16, v17;
	[tilespmem:v3+s11+$0x0] =	vst.idx.add.f32.msk vm0, v6  }
0xdd: {  	vm1 =	vne.s32 v4, v5;
	v12 =	vmul.f32 v14, v12;
	v13 =	vld.idx.msk [tilespmem:v13+s3+$0x0], $0xffff  }
0xde: {  	v16 =	vsel vm1, v16, v17;
	v17 =	vld.idx.msk [tilespmem:v15+s7+$0x0], $0xffff;
	vm2 =	vne.s32 v8, v4  }
0xdf: {  	v22 =	vadd.f32 v12, v16;
	vm3 =	vmmov vm2;
	v9 =	vmul.f32 v11, v9;
	v11 =	vld.idx.msk [tilespmem:v15+s9+$0x0], $0xffff  }
0xe0: {  	vm4 =	vne.s32 v18, v8;
	v23 =	vld.idx.msk [tilespmem:v19+s7+$0x0], $0xffff  }
0xe1: {  	vm5 =	vne.s32 v10, v18;
	v12 =	vsel vm2, v12, v22;
	v15 =	vld.idx.msk [tilespmem:v20+s3+$0x0], $0xffff  }
0xe2: {  	v14 =	vld.idx.msk [tilespmem:v19+s8+$0x0], $0xffff;
	v3 =	vadd.f32 v9, v12  }
0xe3: {  	[tilespmem:v5+s11+$0x0] =	vst.idx.add.f32.msk vm1, v7;
	v5 =	vmul.f32 v13, v21;
	vm0 =	vne.s32 v17, v10  }
0xe4: {  	v3 =	vsel vm4, v9, v3  }
0xe5: {  	v6 =	vadd.f32 v5, v3;
	[tilespmem:v4+s11+$0x0] =	vst.idx.add.f32.msk vm3, v16;
	vm1 =	vne.s32 v23, v17  }
0xe6: {  	[tilespmem:v8+s11+$0x0] =	vst.idx.add.f32.msk vm4, v12;
	v4 =	vmul.f32 v15, v11  }
0xe7: {  	[tilespmem:v18+s11+$0x0] =	vst.idx.add.f32.msk vm5, v3;
	v5 =	vsel vm5, v5, v6  }
0xe8: {  	v3 =	vld.idx.msk [tilespmem:v19+s9+$0x0], $0xffff;
	v6 =	vadd.f32 v4, v5  }
0xe9: {  	[tilespmem:v10+s11+$0x0] =	vst.idx.add.f32.msk vm0, v5  }
0xea: {  	v7 =	vld.idx.msk [tilespmem:v14+s3+$0x0], $0xffff;
	v4 =	vsel vm0, v4, v6  }
0xeb: {  	[tilespmem:v17+s11+$0x0] =	vst.idx.add.f32.msk vm1, v4  }
0xec: {  	v5 =	vld.idx.msk [tilespmem:v2+s8+$0x0], $0xffff;
	_ =	sdelay $0x5  }
0xed: {  	v6 =	vld.idx.msk [tilespmem:v2+s7+$0x0], $0xffff  }
0xee: {  	s14 =	simm.s32 $0x0;
	v8 =	vld.idx.msk [tilespmem:v2+s9+$0x0], $0xffff  }
0xef: {  	v5 =	vld.idx.msk [tilespmem:v5+s14+$0x0], $0xffff;
	_ =	sdelay $0x1  }
0xf0: {  	v3 =	vmul.f32 v7, v3  }
0xf1: {  	vm0 =	vne.s32 v6, v23  }
0xf2: {  	v4 =	vadd.f32 v3, v4  }
0xf3: {  	v5 =	vmul.f32 v5, v8  }
0xf4: {  	v3 =	vsel vm1, v3, v4  }
0xf5: {  	v4 =	vadd.f32 v5, v3;
	_ =	sdelay $0x1  }
0xf6: {  	[tilespmem:v23+s11+$0x0] =	vst.idx.add.f32.msk vm0, v3;
	v3 =	vsel vm0, v5, v4  }
0xf7: {  	s15 =	rddreg [dreg:$0xc];
	[tilespmem:v6+s11+$0x0] =	vst.idx.add.f32.msk $0xffff, v3  }
0xf8: {  	[tilespmem:s7], [sflag:$0x2] =	stream.linear.gather [hbm4b:s15+s14], $0x2410, $0x38;
	[tilespmem:$0x15B00] =	vst v63  }
0xf9: {  	s16 =	rddreg [dreg:$0xd]  }
0xfa: {  	[tilespmem:s8], [sflag:$0x2] =	stream.linear.gather [hbm4b:s16+s14], $0x2410, $0x38;
	[tilespmem:$0x15B00] =	vst v63  }
0xfb: {  	s16 =	rddreg [dreg:$0xe]  }
0xfc: {  	[tilespmem:s9], [sflag:$0x2] =	stream.linear.gather [hbm4b:s16+s14], $0x2410, $0x38;
	[tilespmem:$0x15B00] =	vst v63  }
0xfd: {  	_ =	swait.ge [sflag:s10], $0x2410  }
0xfe: {  	[sflag:s10] =	ssyncset.done $0x0  }
0xff: {  	[sflag:s10] =	ssyncadd.s32 $0xFFFFDBF0  }
0x100: {  	_ =	swait.ge [sflag:s10], $0x2410  }
0x101: {  	v4 =	vadd.s32 s14, v0;
	[sflag:s10] =	ssyncset.done $0x0  }
0x102: {  	[sflag:s10] =	ssyncadd.s32 $0xFFFFDBF0  }
0x103: {  	s16 =	simm.s32 $0x1;
	_ =	swait.ge [sflag:s10], $0x2410  }
0x104: {  	v5 =	vadd.s32 s16, v0;
	[sflag:s10] =	ssyncset.done $0x0  }
0x105: {  	s15 =	simm.s32 $0x2;
	[sflag:s10] =	ssyncadd.s32 $0xFFFFDBF0  }
0x106: {  	v7 =	vadd.s32 s15, v0;
	v6 =	vld.idx.msk [tilespmem:v4+s4+$0x0], $0xffff;
	_ =	sdelay $0x2  }
0x107: {  	v8 =	vld.idx.msk [tilespmem:v5+s4+$0x0], $0xffff  }
0x108: {  	s16 =	simm.s32 $0x3;
	v18 =	vld.idx.msk [tilespmem:v0+s1+$0x0], $0xffff  }
0x109: {  	v15 =	vadd.s32 s16, v0;
	v11 =	vld.idx.msk [tilespmem:v7+s4+$0x0], $0xffff  }
0x10a: {  	v3 =	vld.idx.msk [tilespmem:v4+s1+$0x0], $0xffff  }
0x10b: {  	v4 =	vld.idx.msk [tilespmem:v4+s5+$0x0], $0xffff  }
0x10c: {  	v6 =	vld.idx.msk [tilespmem:v6+s3+$0x0], $0xffff  }
0x10d: {  	v12 =	vld.idx.msk [tilespmem:v5+s5+$0x0], $0xffff  }
0x10e: {  	s15 =	simm.s32 $0x4;
	v13 =	vld.idx.msk [tilespmem:v15+s4+$0x0], $0xffff  }
0x10f: {  	v9 =	vadd.s32 s15, v0;
	v8 =	vld.idx.msk [tilespmem:v8+s3+$0x0], $0xffff  }
0x110: {  	v5 =	vld.idx.msk [tilespmem:v5+s1+$0x0], $0xffff  }
0x111: {  	s16 =	simm.s32 $0x5;
	v16 =	vld.idx.msk [tilespmem:v11+s3+$0x0], $0xffff;
	v6 =	vmul.f32 v6, v4  }
0x112: {  	v19 =	vimm.f32 $0.0e+00;
	v10 =	vadd.s32 s16, v0;
	v4 =	vld.idx.msk [tilespmem:v7+s1+$0x0], $0xffff  }
0x113: {  	vm3 =	vmmov vm1;
	vm1 =	vne.s32 v3, v18;
	v7 =	vld.idx.msk [tilespmem:v7+s5+$0x0], $0xffff;
	v14 =	vadd.f32 v6, v19  }
0x114: {  	v11 =	vld.idx.msk [tilespmem:v9+s4+$0x0], $0xffff;
	v8 =	vmul.f32 v8, v12  }
0x115: {  	v12 =	vld.idx.msk [tilespmem:v15+s5+$0x0], $0xffff;
	v6 =	vsel vm1, v6, v14  }
0x116: {  	v14 =	vld.idx.msk [tilespmem:v13+s3+$0x0], $0xffff;
	v17 =	vadd.f32 v8, v6  }
0x117: {  	vm0 =	vne.s32 v5, v3;
	v13 =	vld.idx.msk [tilespmem:v10+s4+$0x0], $0xffff  }
0x118: {  	s14 =	simm.s32 $0x6;
	v16 =	vmul.f32 v16, v7;
	v17 =	vsel vm0, v8, v17;
	v8 =	vld.idx.msk [tilespmem:v15+s1+$0x0], $0xffff  }
0x119: {  	vm2 =	vmmov vm5;
	s15 =	simm.s32 $0x8;
	[tilespmem:v18+s11+$0x0] =	vst.idx.add.f32.msk vm1, v19;
	vm0 =	vmmov vm0;
	v15 =	vadd.s32 s14, v0;
	v7 =	vmovc v17  }
.LBB2_8:
0x11a: {  	p1 =	slt.u32 s15, $0x23E;
	v18 =	vld.idx.msk [tilespmem:v9+s1+$0x0], $0xffff;
	v17 =	vadd.f32 v16, v17  }
0x11b: {  	s16 =	sadd.s32 $0x1, s14;
	vm1 =	vne.s32 v4, v5;
	v20 =	vmul.f32 v14, v12;
	s14 =	smov.u32 s15;
	v19 =	vld.idx.msk [tilespmem:v9+s5+$0x0], $0xffff;
	v9 =	vmov v15  }
0x11c: {  	v21 =	vadd.s32 s16, v0;
	v22 =	vld.idx.msk [tilespmem:v11+s3+$0x0], $0xffff;
	v16 =	vsel vm1, v16, v17  }
0x11d: {  	v23 =	vmov v5;
	v11 =	vld.idx.msk [tilespmem:v15+s4+$0x0], $0xffff;
	v15 =	vadd.f32 v20, v16;
	v5 =	vmov v8  }
0x11e: {  	vm2 =	vne.s32 v8, v4;
	v12 =	vld.idx.msk [tilespmem:v10+s5+$0x0], $0xffff  }
.Ltmp5:
0x11f: {  	v14 =	vld.idx.msk [tilespmem:v13+s3+$0x0], $0xffff;
	v17 =	vsel vm2, v20, v15;
	(pc) =	sbr.rel @p1 .LBB2_8-.Ltmp5, $4  }
0x120: {  	[tilespmem:v3+s11+$0x0] =	vst.idx.add.f32.msk vm0, v6;
	v3 =	vmovc v4;
	v4 =	vmov v18;
	v6 =	vmov v16;
	vm0 =	vmmov vm2  }
0x121: {  	v13 =	vld.idx.msk [tilespmem:v21+s4+$0x0], $0xffff  }
0x122: {  	v15 =	vadd.s32 s15, v0;
	v16 =	vmul.f32 v22, v19;
	v8 =	vld.idx.msk [tilespmem:v10+s1+$0x0], $0xffff;
	v10 =	vmov v21  }
0x123: {  	s15 =	sadd.s32 $0x2, s15;
	[tilespmem:v23+s11+$0x0] =	vst.idx.add.f32.msk vm1, v7;
	v7 =	vmov v17  }
0x124: {  	_ =	sdelay $0x3  }
0x125: {  	v18 =	vld.idx.msk [tilespmem:v9+s1+$0x0], $0xffff  }
0x126: {  	v9 =	vld.idx.msk [tilespmem:v9+s5+$0x0], $0xffff  }
0x127: {  	v11 =	vld.idx.msk [tilespmem:v11+s3+$0x0], $0xffff  }
0x128: {  	v20 =	vld.idx.msk [tilespmem:v15+s4+$0x0], $0xffff  }
0x129: {  	s14 =	sadd.s32 $0x1, s14;
	v21 =	vld.idx.msk [tilespmem:v10+s5+$0x0], $0xffff  }
0x12a: {  	v10 =	vld.idx.msk [tilespmem:v10+s1+$0x0], $0xffff;
	v19 =	vadd.s32 s14, v0  }
0x12b: {  	v17 =	vadd.f32 v16, v17;
	[tilespmem:v3+s11+$0x0] =	vst.idx.add.f32.msk vm0, v6  }
0x12c: {  	vm1 =	vne.s32 v4, v5;
	v12 =	vmul.f32 v14, v12;
	v13 =	vld.idx.msk [tilespmem:v13+s3+$0x0], $0xffff  }
0x12d: {  	v16 =	vsel vm1, v16, v17;
	v17 =	vld.idx.msk [tilespmem:v15+s1+$0x0], $0xffff;
	vm2 =	vne.s32 v8, v4  }
0x12e: {  	v22 =	vadd.f32 v12, v16;
	vm3 =	vmmov vm2;
	v9 =	vmul.f32 v11, v9;
	v11 =	vld.idx.msk [tilespmem:v15+s5+$0x0], $0xffff  }
0x12f: {  	vm4 =	vne.s32 v18, v8;
	v23 =	vld.idx.msk [tilespmem:v19+s1+$0x0], $0xffff  }
0x130: {  	vm5 =	vne.s32 v10, v18;
	v12 =	vsel vm2, v12, v22;
	v15 =	vld.idx.msk [tilespmem:v20+s3+$0x0], $0xffff  }
0x131: {  	v14 =	vld.idx.msk [tilespmem:v19+s4+$0x0], $0xffff;
	v3 =	vadd.f32 v9, v12  }
0x132: {  	[tilespmem:v5+s11+$0x0] =	vst.idx.add.f32.msk vm1, v7;
	v5 =	vmul.f32 v13, v21;
	vm0 =	vne.s32 v17, v10  }
0x133: {  	v3 =	vsel vm4, v9, v3  }
0x134: {  	v6 =	vadd.f32 v5, v3;
	[tilespmem:v4+s11+$0x0] =	vst.idx.add.f32.msk vm3, v16;
	vm1 =	vne.s32 v23, v17  }
0x135: {  	[tilespmem:v8+s11+$0x0] =	vst.idx.add.f32.msk vm4, v12;
	v4 =	vmul.f32 v15, v11  }
0x136: {  	[tilespmem:v18+s11+$0x0] =	vst.idx.add.f32.msk vm5, v3;
	v5 =	vsel vm5, v5, v6  }
0x137: {  	v3 =	vld.idx.msk [tilespmem:v19+s5+$0x0], $0xffff;
	v6 =	vadd.f32 v4, v5  }
0x138: {  	[tilespmem:v10+s11+$0x0] =	vst.idx.add.f32.msk vm0, v5  }
0x139: {  	v7 =	vld.idx.msk [tilespmem:v14+s3+$0x0], $0xffff;
	v4 =	vsel vm0, v4, v6  }
0x13a: {  	[tilespmem:v17+s11+$0x0] =	vst.idx.add.f32.msk vm1, v4  }
0x13b: {  	v5 =	vld.idx.msk [tilespmem:v2+s4+$0x0], $0xffff;
	_ =	sdelay $0x5  }
0x13c: {  	v6 =	vld.idx.msk [tilespmem:v2+s1+$0x0], $0xffff  }
0x13d: {  	s14 =	simm.s32 $0x0;
	v8 =	vld.idx.msk [tilespmem:v2+s5+$0x0], $0xffff  }
0x13e: {  	v5 =	vld.idx.msk [tilespmem:v5+s14+$0x0], $0xffff;
	_ =	sdelay $0x1  }
0x13f: {  	v3 =	vmul.f32 v7, v3  }
0x140: {  	vm0 =	vne.s32 v6, v23  }
0x141: {  	v4 =	vadd.f32 v3, v4  }
0x142: {  	v5 =	vmul.f32 v5, v8  }
0x143: {  	v3 =	vsel vm1, v3, v4  }
0x144: {  	v4 =	vadd.f32 v5, v3;
	_ =	sdelay $0x1  }
0x145: {  	[tilespmem:v23+s11+$0x0] =	vst.idx.add.f32.msk vm0, v3;
	v3 =	vsel vm0, v5, v4  }
0x146: {  	s15 =	rddreg [dreg:$0xf];
	[tilespmem:v6+s11+$0x0] =	vst.idx.add.f32.msk $0xffff, v3  }
0x147: {  	[tilespmem:s1], [sflag:$0x1] =	stream.linear.gather [hbm4b:s15+s14], $0x2410, $0x38;
	[tilespmem:$0x15B00] =	vst v63  }
0x148: {  	s16 =	rddreg [dreg:$0x10]  }
0x149: {  	[tilespmem:s4], [sflag:$0x1] =	stream.linear.gather [hbm4b:s16+s14], $0x2410, $0x38;
	[tilespmem:$0x15B00] =	vst v63  }
0x14a: {  	s16 =	rddreg [dreg:$0x11]  }
0x14b: {  	[tilespmem:s5], [sflag:$0x1] =	stream.linear.gather [hbm4b:s16+s14], $0x2410, $0x38;
	[tilespmem:$0x15B00] =	vst v63  }
0x14c: {  	_ =	swait.ge [sflag:s6], $0x2410  }
0x14d: {  	[sflag:s6] =	ssyncset.done $0x0  }
0x14e: {  	[sflag:s6] =	ssyncadd.s32 $0xFFFFDBF0  }
0x14f: {  	_ =	swait.ge [sflag:s6], $0x2410  }
0x150: {  	v4 =	vadd.s32 s14, v0;
	[sflag:s6] =	ssyncset.done $0x0  }
0x151: {  	[sflag:s6] =	ssyncadd.s32 $0xFFFFDBF0  }
0x152: {  	s16 =	simm.s32 $0x1;
	_ =	swait.ge [sflag:s6], $0x2410  }
0x153: {  	v5 =	vadd.s32 s16, v0;
	[sflag:s6] =	ssyncset.done $0x0  }
0x154: {  	s15 =	simm.s32 $0x2;
	[sflag:s6] =	ssyncadd.s32 $0xFFFFDBF0  }
0x155: {  	v7 =	vadd.s32 s15, v0;
	v6 =	vld.idx.msk [tilespmem:v4+s8+$0x0], $0xffff;
	_ =	sdelay $0x2  }
0x156: {  	v8 =	vld.idx.msk [tilespmem:v5+s8+$0x0], $0xffff  }
0x157: {  	s16 =	simm.s32 $0x3;
	v18 =	vld.idx.msk [tilespmem:v0+s7+$0x0], $0xffff  }
0x158: {  	v15 =	vadd.s32 s16, v0;
	v11 =	vld.idx.msk [tilespmem:v7+s8+$0x0], $0xffff  }
0x159: {  	v3 =	vld.idx.msk [tilespmem:v4+s7+$0x0], $0xffff  }
0x15a: {  	v4 =	vld.idx.msk [tilespmem:v4+s9+$0x0], $0xffff  }
0x15b: {  	v6 =	vld.idx.msk [tilespmem:v6+s3+$0x0], $0xffff  }
0x15c: {  	v12 =	vld.idx.msk [tilespmem:v5+s9+$0x0], $0xffff  }
0x15d: {  	s15 =	simm.s32 $0x4;
	v13 =	vld.idx.msk [tilespmem:v15+s8+$0x0], $0xffff  }
0x15e: {  	v9 =	vadd.s32 s15, v0;
	v8 =	vld.idx.msk [tilespmem:v8+s3+$0x0], $0xffff  }
0x15f: {  	v5 =	vld.idx.msk [tilespmem:v5+s7+$0x0], $0xffff  }
0x160: {  	s16 =	simm.s32 $0x5;
	v16 =	vld.idx.msk [tilespmem:v11+s3+$0x0], $0xffff;
	v6 =	vmul.f32 v6, v4  }
0x161: {  	v19 =	vimm.f32 $0.0e+00;
	v10 =	vadd.s32 s16, v0;
	v4 =	vld.idx.msk [tilespmem:v7+s7+$0x0], $0xffff  }
0x162: {  	vm3 =	vmmov vm1;
	vm1 =	vne.s32 v3, v18;
	v7 =	vld.idx.msk [tilespmem:v7+s9+$0x0], $0xffff;
	v14 =	vadd.f32 v6, v19  }
0x163: {  	v11 =	vld.idx.msk [tilespmem:v9+s8+$0x0], $0xffff;
	v8 =	vmul.f32 v8, v12  }
0x164: {  	v12 =	vld.idx.msk [tilespmem:v15+s9+$0x0], $0xffff;
	v6 =	vsel vm1, v6, v14  }
0x165: {  	v14 =	vld.idx.msk [tilespmem:v13+s3+$0x0], $0xffff;
	v17 =	vadd.f32 v8, v6  }
0x166: {  	vm0 =	vne.s32 v5, v3;
	v13 =	vld.idx.msk [tilespmem:v10+s8+$0x0], $0xffff  }
0x167: {  	s14 =	simm.s32 $0x6;
	v16 =	vmul.f32 v16, v7;
	v17 =	vsel vm0, v8, v17;
	v8 =	vld.idx.msk [tilespmem:v15+s7+$0x0], $0xffff  }
0x168: {  	vm2 =	vmmov vm5;
	s15 =	simm.s32 $0x8;
	[tilespmem:v18+s11+$0x0] =	vst.idx.add.f32.msk vm1, v19;
	vm0 =	vmmov vm0;
	v15 =	vadd.s32 s14, v0;
	v7 =	vmovc v17  }
.LBB2_10:
0x169: {  	p1 =	slt.u32 s15, $0x23E;
	v18 =	vld.idx.msk [tilespmem:v9+s7+$0x0], $0xffff;
	v17 =	vadd.f32 v16, v17  }
0x16a: {  	s16 =	sadd.s32 $0x1, s14;
	vm1 =	vne.s32 v4, v5;
	v20 =	vmul.f32 v14, v12;
	s14 =	smov.u32 s15;
	v19 =	vld.idx.msk [tilespmem:v9+s9+$0x0], $0xffff;
	v9 =	vmov v15  }
0x16b: {  	v21 =	vadd.s32 s16, v0;
	v22 =	vld.idx.msk [tilespmem:v11+s3+$0x0], $0xffff;
	v16 =	vsel vm1, v16, v17  }
0x16c: {  	v23 =	vmov v5;
	v11 =	vld.idx.msk [tilespmem:v15+s8+$0x0], $0xffff;
	v15 =	vadd.f32 v20, v16;
	v5 =	vmov v8  }
0x16d: {  	vm2 =	vne.s32 v8, v4;
	v12 =	vld.idx.msk [tilespmem:v10+s9+$0x0], $0xffff  }
.Ltmp6:
0x16e: {  	v14 =	vld.idx.msk [tilespmem:v13+s3+$0x0], $0xffff;
	v17 =	vsel vm2, v20, v15;
	(pc) =	sbr.rel @p1 .LBB2_10-.Ltmp6, $4  }
0x16f: {  	[tilespmem:v3+s11+$0x0] =	vst.idx.add.f32.msk vm0, v6;
	v3 =	vmovc v4;
	v4 =	vmov v18;
	v6 =	vmov v16;
	vm0 =	vmmov vm2  }
0x170: {  	v13 =	vld.idx.msk [tilespmem:v21+s8+$0x0], $0xffff  }
0x171: {  	v15 =	vadd.s32 s15, v0;
	v16 =	vmul.f32 v22, v19;
	v8 =	vld.idx.msk [tilespmem:v10+s7+$0x0], $0xffff;
	v10 =	vmov v21  }
0x172: {  	s15 =	sadd.s32 $0x2, s15;
	[tilespmem:v23+s11+$0x0] =	vst.idx.add.f32.msk vm1, v7;
	v7 =	vmov v17  }
0x173: {  	_ =	sdelay $0x3  }
0x174: {  	v18 =	vld.idx.msk [tilespmem:v9+s7+$0x0], $0xffff  }
0x175: {  	v9 =	vld.idx.msk [tilespmem:v9+s9+$0x0], $0xffff  }
0x176: {  	v11 =	vld.idx.msk [tilespmem:v11+s3+$0x0], $0xffff  }
0x177: {  	v20 =	vld.idx.msk [tilespmem:v15+s8+$0x0], $0xffff  }
0x178: {  	s14 =	sadd.s32 $0x1, s14;
	v21 =	vld.idx.msk [tilespmem:v10+s9+$0x0], $0xffff  }
0x179: {  	v10 =	vld.idx.msk [tilespmem:v10+s7+$0x0], $0xffff;
	v19 =	vadd.s32 s14, v0  }
0x17a: {  	v17 =	vadd.f32 v16, v17;
	[tilespmem:v3+s11+$0x0] =	vst.idx.add.f32.msk vm0, v6  }
0x17b: {  	vm1 =	vne.s32 v4, v5;
	v12 =	vmul.f32 v14, v12;
	v13 =	vld.idx.msk [tilespmem:v13+s3+$0x0], $0xffff  }
0x17c: {  	v16 =	vsel vm1, v16, v17;
	v17 =	vld.idx.msk [tilespmem:v15+s7+$0x0], $0xffff;
	vm2 =	vne.s32 v8, v4  }
0x17d: {  	v22 =	vadd.f32 v12, v16;
	vm3 =	vmmov vm2;
	v9 =	vmul.f32 v11, v9;
	v11 =	vld.idx.msk [tilespmem:v15+s9+$0x0], $0xffff  }
0x17e: {  	vm4 =	vne.s32 v18, v8;
	v23 =	vld.idx.msk [tilespmem:v19+s7+$0x0], $0xffff  }
0x17f: {  	vm5 =	vne.s32 v10, v18;
	v12 =	vsel vm2, v12, v22;
	v15 =	vld.idx.msk [tilespmem:v20+s3+$0x0], $0xffff  }
0x180: {  	v14 =	vld.idx.msk [tilespmem:v19+s8+$0x0], $0xffff;
	v3 =	vadd.f32 v9, v12  }
0x181: {  	[tilespmem:v5+s11+$0x0] =	vst.idx.add.f32.msk vm1, v7;
	v5 =	vmul.f32 v13, v21;
	vm0 =	vne.s32 v17, v10  }
0x182: {  	v3 =	vsel vm4, v9, v3  }
0x183: {  	v6 =	vadd.f32 v5, v3;
	[tilespmem:v4+s11+$0x0] =	vst.idx.add.f32.msk vm3, v16;
	vm1 =	vne.s32 v23, v17  }
0x184: {  	[tilespmem:v8+s11+$0x0] =	vst.idx.add.f32.msk vm4, v12;
	v4 =	vmul.f32 v15, v11  }
0x185: {  	[tilespmem:v18+s11+$0x0] =	vst.idx.add.f32.msk vm5, v3;
	v5 =	vsel vm5, v5, v6  }
0x186: {  	v3 =	vld.idx.msk [tilespmem:v19+s9+$0x0], $0xffff;
	v6 =	vadd.f32 v4, v5  }
0x187: {  	[tilespmem:v10+s11+$0x0] =	vst.idx.add.f32.msk vm0, v5  }
0x188: {  	v7 =	vld.idx.msk [tilespmem:v14+s3+$0x0], $0xffff;
	v4 =	vsel vm0, v4, v6  }
0x189: {  	[tilespmem:v17+s11+$0x0] =	vst.idx.add.f32.msk vm1, v4  }
0x18a: {  	v5 =	vld.idx.msk [tilespmem:v2+s8+$0x0], $0xffff;
	_ =	sdelay $0x5  }
0x18b: {  	v6 =	vld.idx.msk [tilespmem:v2+s7+$0x0], $0xffff  }
0x18c: {  	s16 =	simm.s32 $0x0;
	v8 =	vld.idx.msk [tilespmem:v2+s9+$0x0], $0xffff  }
0x18d: {  	v5 =	vld.idx.msk [tilespmem:v5+s16+$0x0], $0xffff;
	_ =	sdelay $0x1  }
0x18e: {  	v3 =	vmul.f32 v7, v3  }
0x18f: {  	vm0 =	vne.s32 v6, v23  }
0x190: {  	v4 =	vadd.f32 v3, v4  }
0x191: {  	v5 =	vmul.f32 v5, v8  }
0x192: {  	v3 =	vsel vm1, v3, v4  }
0x193: {  	v4 =	vadd.f32 v5, v3;
	_ =	sdelay $0x1  }
0x194: {  	[tilespmem:v23+s11+$0x0] =	vst.idx.add.f32.msk vm0, v3;
	v3 =	vsel vm0, v5, v4  }
0x195: {  	s15 =	rddreg [dreg:$0x12];
	[tilespmem:v6+s11+$0x0] =	vst.idx.add.f32.msk $0xffff, v3  }
0x196: {  	[tilespmem:s7], [sflag:$0x2] =	stream.linear.gather [hbm4b:s15+s16], $0x2410, $0x38;
	[tilespmem:$0x15B00] =	vst v63  }
0x197: {  	_ = 	snop  }
0x198: {  	[tilespmem:s8], [sflag:$0x2] =	stream.linear.gather [hbm4b:s17+s16], $0x2410, $0x38;
	[tilespmem:$0x15B00] =	vst v63  }
0x199: {  	_ = 	snop  }
0x19a: {  	[tilespmem:s9], [sflag:$0x2] =	stream.linear.gather [hbm4b:s18+s16], $0x2410, $0x38;
	[tilespmem:$0x15B00] =	vst v63  }
0x19b: {  	_ =	swait.ge [sflag:s10], $0x2410  }
0x19c: {  	[sflag:s10] =	ssyncset.done $0x0  }
0x19d: {  	[sflag:s10] =	ssyncadd.s32 $0xFFFFDBF0  }
0x19e: {  	_ =	swait.ge [sflag:s10], $0x2410  }
0x19f: {  	v4 =	vadd.s32 s16, v0;
	[sflag:s10] =	ssyncset.done $0x0  }
0x1a0: {  	[sflag:s10] =	ssyncadd.s32 $0xFFFFDBF0  }
0x1a1: {  	s16 =	simm.s32 $0x1;
	_ =	swait.ge [sflag:s10], $0x2410  }
0x1a2: {  	v5 =	vadd.s32 s16, v0;
	[sflag:s10] =	ssyncset.done $0x0  }
0x1a3: {  	s15 =	simm.s32 $0x2;
	[sflag:s10] =	ssyncadd.s32 $0xFFFFDBF0  }
0x1a4: {  	v7 =	vadd.s32 s15, v0;
	v6 =	vld.idx.msk [tilespmem:v4+s4+$0x0], $0xffff;
	_ =	sdelay $0x2  }
0x1a5: {  	v8 =	vld.idx.msk [tilespmem:v5+s4+$0x0], $0xffff  }
0x1a6: {  	s16 =	simm.s32 $0x3;
	v18 =	vld.idx.msk [tilespmem:v0+s1+$0x0], $0xffff  }
0x1a7: {  	v15 =	vadd.s32 s16, v0;
	v11 =	vld.idx.msk [tilespmem:v7+s4+$0x0], $0xffff  }
0x1a8: {  	v3 =	vld.idx.msk [tilespmem:v4+s1+$0x0], $0xffff  }
0x1a9: {  	v4 =	vld.idx.msk [tilespmem:v4+s5+$0x0], $0xffff  }
0x1aa: {  	v6 =	vld.idx.msk [tilespmem:v6+s3+$0x0], $0xffff  }
0x1ab: {  	v12 =	vld.idx.msk [tilespmem:v5+s5+$0x0], $0xffff  }
0x1ac: {  	s15 =	simm.s32 $0x4;
	v13 =	vld.idx.msk [tilespmem:v15+s4+$0x0], $0xffff  }
0x1ad: {  	v9 =	vadd.s32 s15, v0;
	v8 =	vld.idx.msk [tilespmem:v8+s3+$0x0], $0xffff  }
0x1ae: {  	v5 =	vld.idx.msk [tilespmem:v5+s1+$0x0], $0xffff  }
0x1af: {  	s16 =	simm.s32 $0x5;
	v16 =	vld.idx.msk [tilespmem:v11+s3+$0x0], $0xffff;
	v6 =	vmul.f32 v6, v4  }
0x1b0: {  	v19 =	vimm.f32 $0.0e+00;
	v10 =	vadd.s32 s16, v0;
	v4 =	vld.idx.msk [tilespmem:v7+s1+$0x0], $0xffff  }
0x1b1: {  	vm3 =	vmmov vm1;
	vm1 =	vne.s32 v3, v18;
	v7 =	vld.idx.msk [tilespmem:v7+s5+$0x0], $0xffff;
	v14 =	vadd.f32 v6, v19  }
0x1b2: {  	v11 =	vld.idx.msk [tilespmem:v9+s4+$0x0], $0xffff;
	v8 =	vmul.f32 v8, v12  }
0x1b3: {  	v12 =	vld.idx.msk [tilespmem:v15+s5+$0x0], $0xffff;
	v6 =	vsel vm1, v6, v14  }
0x1b4: {  	v14 =	vld.idx.msk [tilespmem:v13+s3+$0x0], $0xffff;
	v17 =	vadd.f32 v8, v6  }
0x1b5: {  	vm0 =	vne.s32 v5, v3;
	v13 =	vld.idx.msk [tilespmem:v10+s4+$0x0], $0xffff  }
0x1b6: {  	s14 =	simm.s32 $0x6;
	v16 =	vmul.f32 v16, v7;
	v17 =	vsel vm0, v8, v17;
	v8 =	vld.idx.msk [tilespmem:v15+s1+$0x0], $0xffff  }
0x1b7: {  	vm2 =	vmmov vm5;
	s15 =	simm.s32 $0x8;
	[tilespmem:v18+s11+$0x0] =	vst.idx.add.f32.msk vm1, v19;
	vm0 =	vmmov vm0;
	v15 =	vadd.s32 s14, v0;
	v7 =	vmovc v17  }
.LBB2_12:
0x1b8: {  	p1 =	slt.u32 s15, $0x23E;
	v18 =	vld.idx.msk [tilespmem:v9+s1+$0x0], $0xffff;
	v17 =	vadd.f32 v16, v17  }
0x1b9: {  	s16 =	sadd.s32 $0x1, s14;
	vm1 =	vne.s32 v4, v5;
	v20 =	vmul.f32 v14, v12;
	s14 =	smov.u32 s15;
	v19 =	vld.idx.msk [tilespmem:v9+s5+$0x0], $0xffff;
	v9 =	vmov v15  }
0x1ba: {  	v21 =	vadd.s32 s16, v0;
	v22 =	vld.idx.msk [tilespmem:v11+s3+$0x0], $0xffff;
	v16 =	vsel vm1, v16, v17  }
0x1bb: {  	v23 =	vmov v5;
	v11 =	vld.idx.msk [tilespmem:v15+s4+$0x0], $0xffff;
	v15 =	vadd.f32 v20, v16;
	v5 =	vmov v8  }
0x1bc: {  	vm2 =	vne.s32 v8, v4;
	v12 =	vld.idx.msk [tilespmem:v10+s5+$0x0], $0xffff  }
.Ltmp7:
0x1bd: {  	v14 =	vld.idx.msk [tilespmem:v13+s3+$0x0], $0xffff;
	v17 =	vsel vm2, v20, v15;
	(pc) =	sbr.rel @p1 .LBB2_12-.Ltmp7, $4  }
0x1be: {  	[tilespmem:v3+s11+$0x0] =	vst.idx.add.f32.msk vm0, v6;
	v3 =	vmovc v4;
	v4 =	vmov v18;
	v6 =	vmov v16;
	vm0 =	vmmov vm2  }
0x1bf: {  	v13 =	vld.idx.msk [tilespmem:v21+s4+$0x0], $0xffff  }
0x1c0: {  	v15 =	vadd.s32 s15, v0;
	v16 =	vmul.f32 v22, v19;
	v8 =	vld.idx.msk [tilespmem:v10+s1+$0x0], $0xffff;
	v10 =	vmov v21  }
0x1c1: {  	s15 =	sadd.s32 $0x2, s15;
	[tilespmem:v23+s11+$0x0] =	vst.idx.add.f32.msk vm1, v7;
	v7 =	vmov v17  }
0x1c2: {  	_ =	sdelay $0x3  }
0x1c3: {  	v18 =	vld.idx.msk [tilespmem:v9+s1+$0x0], $0xffff  }
0x1c4: {  	v9 =	vld.idx.msk [tilespmem:v9+s5+$0x0], $0xffff  }
0x1c5: {  	v11 =	vld.idx.msk [tilespmem:v11+s3+$0x0], $0xffff  }
0x1c6: {  	v20 =	vld.idx.msk [tilespmem:v15+s4+$0x0], $0xffff  }
0x1c7: {  	s14 =	sadd.s32 $0x1, s14;
	v21 =	vld.idx.msk [tilespmem:v10+s5+$0x0], $0xffff  }
0x1c8: {  	v10 =	vld.idx.msk [tilespmem:v10+s1+$0x0], $0xffff;
	v19 =	vadd.s32 s14, v0  }
0x1c9: {  	v17 =	vadd.f32 v16, v17;
	[tilespmem:v3+s11+$0x0] =	vst.idx.add.f32.msk vm0, v6  }
0x1ca: {  	vm1 =	vne.s32 v4, v5;
	v12 =	vmul.f32 v14, v12;
	v13 =	vld.idx.msk [tilespmem:v13+s3+$0x0], $0xffff  }
0x1cb: {  	v16 =	vsel vm1, v16, v17;
	v17 =	vld.idx.msk [tilespmem:v15+s1+$0x0], $0xffff;
	vm2 =	vne.s32 v8, v4  }
0x1cc: {  	v22 =	vadd.f32 v12, v16;
	vm3 =	vmmov vm2;
	v9 =	vmul.f32 v11, v9;
	v11 =	vld.idx.msk [tilespmem:v15+s5+$0x0], $0xffff  }
0x1cd: {  	vm4 =	vne.s32 v18, v8;
	v23 =	vld.idx.msk [tilespmem:v19+s1+$0x0], $0xffff  }
0x1ce: {  	vm5 =	vne.s32 v10, v18;
	v12 =	vsel vm2, v12, v22;
	v15 =	vld.idx.msk [tilespmem:v20+s3+$0x0], $0xffff  }
0x1cf: {  	v14 =	vld.idx.msk [tilespmem:v19+s4+$0x0], $0xffff;
	v3 =	vadd.f32 v9, v12  }
0x1d0: {  	[tilespmem:v5+s11+$0x0] =	vst.idx.add.f32.msk vm1, v7;
	v5 =	vmul.f32 v13, v21;
	vm0 =	vne.s32 v17, v10  }
0x1d1: {  	v3 =	vsel vm4, v9, v3  }
0x1d2: {  	v6 =	vadd.f32 v5, v3;
	[tilespmem:v4+s11+$0x0] =	vst.idx.add.f32.msk vm3, v16;
	vm1 =	vne.s32 v23, v17  }
0x1d3: {  	[tilespmem:v8+s11+$0x0] =	vst.idx.add.f32.msk vm4, v12;
	v4 =	vmul.f32 v15, v11  }
0x1d4: {  	[tilespmem:v18+s11+$0x0] =	vst.idx.add.f32.msk vm5, v3;
	v5 =	vsel vm5, v5, v6  }
0x1d5: {  	v3 =	vld.idx.msk [tilespmem:v19+s5+$0x0], $0xffff;
	v6 =	vadd.f32 v4, v5  }
0x1d6: {  	[tilespmem:v10+s11+$0x0] =	vst.idx.add.f32.msk vm0, v5  }
0x1d7: {  	v7 =	vld.idx.msk [tilespmem:v14+s3+$0x0], $0xffff;
	v4 =	vsel vm0, v4, v6  }
0x1d8: {  	[tilespmem:v17+s11+$0x0] =	vst.idx.add.f32.msk vm1, v4  }
0x1d9: {  	v5 =	vld.idx.msk [tilespmem:v2+s4+$0x0], $0xffff;
	_ =	sdelay $0x5  }
0x1da: {  	v6 =	vld.idx.msk [tilespmem:v2+s1+$0x0], $0xffff  }
0x1db: {  	s15 =	simm.s32 $0x0;
	v8 =	vld.idx.msk [tilespmem:v2+s5+$0x0], $0xffff  }
0x1dc: {  	v5 =	vld.idx.msk [tilespmem:v5+s15+$0x0], $0xffff;
	_ =	sdelay $0x1  }
0x1dd: {  	v3 =	vmul.f32 v7, v3  }
0x1de: {  	vm0 =	vne.s32 v6, v23  }
0x1df: {  	v4 =	vadd.f32 v3, v4  }
0x1e0: {  	v5 =	vmul.f32 v5, v8  }
0x1e1: {  	v3 =	vsel vm1, v3, v4  }
0x1e2: {  	v4 =	vadd.f32 v5, v3;
	_ =	sdelay $0x1  }
0x1e3: {  	[tilespmem:v23+s11+$0x0] =	vst.idx.add.f32.msk vm0, v3;
	v3 =	vsel vm0, v5, v4  }
0x1e4: {  	[tilespmem:v6+s11+$0x0] =	vst.idx.add.f32.msk $0xffff, v3  }
0x1e5: {  	[tilespmem:s1], [sflag:$0x1] =	stream.linear.gather [hbm4b:s19+s15], $0x2410, $0x38;
	[tilespmem:$0x15B00] =	vst v63  }
0x1e6: {  	_ = 	snop  }
0x1e7: {  	[tilespmem:s4], [sflag:$0x1] =	stream.linear.gather [hbm4b:s20+s15], $0x2410, $0x38;
	[tilespmem:$0x15B00] =	vst v63  }
0x1e8: {  	_ = 	snop  }
0x1e9: {  	[tilespmem:s5], [sflag:$0x1] =	stream.linear.gather [hbm4b:s21+s15], $0x2410, $0x38;
	[tilespmem:$0x15B00] =	vst v63  }
0x1ea: {  	_ =	swait.ge [sflag:s6], $0x2410  }
0x1eb: {  	[sflag:s6] =	ssyncset.done $0x0  }
0x1ec: {  	[sflag:s6] =	ssyncadd.s32 $0xFFFFDBF0  }
0x1ed: {  	_ =	swait.ge [sflag:s6], $0x2410  }
0x1ee: {  	v4 =	vadd.s32 s15, v0;
	[sflag:s6] =	ssyncset.done $0x0  }
0x1ef: {  	[sflag:s6] =	ssyncadd.s32 $0xFFFFDBF0  }
0x1f0: {  	s16 =	simm.s32 $0x1;
	_ =	swait.ge [sflag:s6], $0x2410  }
0x1f1: {  	v5 =	vadd.s32 s16, v0;
	[sflag:s6] =	ssyncset.done $0x0  }
0x1f2: {  	s15 =	simm.s32 $0x2;
	[sflag:s6] =	ssyncadd.s32 $0xFFFFDBF0  }
0x1f3: {  	v7 =	vadd.s32 s15, v0;
	v6 =	vld.idx.msk [tilespmem:v4+s8+$0x0], $0xffff;
	_ =	sdelay $0x2  }
0x1f4: {  	v8 =	vld.idx.msk [tilespmem:v5+s8+$0x0], $0xffff  }
0x1f5: {  	s16 =	simm.s32 $0x3;
	v18 =	vld.idx.msk [tilespmem:v0+s7+$0x0], $0xffff  }
0x1f6: {  	v15 =	vadd.s32 s16, v0;
	v11 =	vld.idx.msk [tilespmem:v7+s8+$0x0], $0xffff  }
0x1f7: {  	v3 =	vld.idx.msk [tilespmem:v4+s7+$0x0], $0xffff  }
0x1f8: {  	v4 =	vld.idx.msk [tilespmem:v4+s9+$0x0], $0xffff  }
0x1f9: {  	v6 =	vld.idx.msk [tilespmem:v6+s3+$0x0], $0xffff  }
0x1fa: {  	v12 =	vld.idx.msk [tilespmem:v5+s9+$0x0], $0xffff  }
0x1fb: {  	s15 =	simm.s32 $0x4;
	v13 =	vld.idx.msk [tilespmem:v15+s8+$0x0], $0xffff  }
0x1fc: {  	v9 =	vadd.s32 s15, v0;
	v8 =	vld.idx.msk [tilespmem:v8+s3+$0x0], $0xffff  }
0x1fd: {  	v5 =	vld.idx.msk [tilespmem:v5+s7+$0x0], $0xffff  }
0x1fe: {  	s16 =	simm.s32 $0x5;
	v16 =	vld.idx.msk [tilespmem:v11+s3+$0x0], $0xffff;
	v6 =	vmul.f32 v6, v4  }
0x1ff: {  	v19 =	vimm.f32 $0.0e+00;
	v10 =	vadd.s32 s16, v0;
	v4 =	vld.idx.msk [tilespmem:v7+s7+$0x0], $0xffff  }
0x200: {  	vm3 =	vmmov vm1;
	vm1 =	vne.s32 v3, v18;
	v7 =	vld.idx.msk [tilespmem:v7+s9+$0x0], $0xffff;
	v14 =	vadd.f32 v6, v19  }
0x201: {  	v11 =	vld.idx.msk [tilespmem:v9+s8+$0x0], $0xffff;
	v8 =	vmul.f32 v8, v12  }
0x202: {  	v12 =	vld.idx.msk [tilespmem:v15+s9+$0x0], $0xffff;
	v6 =	vsel vm1, v6, v14  }
0x203: {  	v14 =	vld.idx.msk [tilespmem:v13+s3+$0x0], $0xffff;
	v17 =	vadd.f32 v8, v6  }
0x204: {  	vm0 =	vne.s32 v5, v3;
	v13 =	vld.idx.msk [tilespmem:v10+s8+$0x0], $0xffff  }
0x205: {  	s14 =	simm.s32 $0x6;
	v16 =	vmul.f32 v16, v7;
	v17 =	vsel vm0, v8, v17;
	v8 =	vld.idx.msk [tilespmem:v15+s7+$0x0], $0xffff  }
0x206: {  	vm2 =	vmmov vm5;
	s15 =	simm.s32 $0x8;
	[tilespmem:v18+s11+$0x0] =	vst.idx.add.f32.msk vm1, v19;
	vm0 =	vmmov vm0;
	v15 =	vadd.s32 s14, v0;
	v7 =	vmovc v17  }
.LBB2_14:
0x207: {  	p1 =	slt.u32 s15, $0x23E;
	v18 =	vld.idx.msk [tilespmem:v9+s7+$0x0], $0xffff;
	v17 =	vadd.f32 v16, v17  }
0x208: {  	s16 =	sadd.s32 $0x1, s14;
	vm1 =	vne.s32 v4, v5;
	v20 =	vmul.f32 v14, v12;
	s14 =	smov.u32 s15;
	v19 =	vld.idx.msk [tilespmem:v9+s9+$0x0], $0xffff;
	v9 =	vmov v15  }
0x209: {  	v21 =	vadd.s32 s16, v0;
	v22 =	vld.idx.msk [tilespmem:v11+s3+$0x0], $0xffff;
	v16 =	vsel vm1, v16, v17  }
0x20a: {  	v23 =	vmov v5;
	v11 =	vld.idx.msk [tilespmem:v15+s8+$0x0], $0xffff;
	v15 =	vadd.f32 v20, v16;
	v5 =	vmov v8  }
0x20b: {  	vm2 =	vne.s32 v8, v4;
	v12 =	vld.idx.msk [tilespmem:v10+s9+$0x0], $0xffff  }
.Ltmp8:
0x20c: {  	v14 =	vld.idx.msk [tilespmem:v13+s3+$0x0], $0xffff;
	v17 =	vsel vm2, v20, v15;
	(pc) =	sbr.rel @p1 .LBB2_14-.Ltmp8, $4  }
0x20d: {  	[tilespmem:v3+s11+$0x0] =	vst.idx.add.f32.msk vm0, v6;
	v3 =	vmovc v4;
	v4 =	vmov v18;
	v6 =	vmov v16;
	vm0 =	vmmov vm2  }
0x20e: {  	v13 =	vld.idx.msk [tilespmem:v21+s8+$0x0], $0xffff  }
0x20f: {  	v15 =	vadd.s32 s15, v0;
	v16 =	vmul.f32 v22, v19;
	v8 =	vld.idx.msk [tilespmem:v10+s7+$0x0], $0xffff;
	v10 =	vmov v21  }
0x210: {  	s15 =	sadd.s32 $0x2, s15;
	[tilespmem:v23+s11+$0x0] =	vst.idx.add.f32.msk vm1, v7;
	v7 =	vmov v17  }
0x211: {  	_ =	sdelay $0x3  }
0x212: {  	v18 =	vld.idx.msk [tilespmem:v9+s7+$0x0], $0xffff  }
0x213: {  	v9 =	vld.idx.msk [tilespmem:v9+s9+$0x0], $0xffff  }
0x214: {  	v11 =	vld.idx.msk [tilespmem:v11+s3+$0x0], $0xffff  }
0x215: {  	v20 =	vld.idx.msk [tilespmem:v15+s8+$0x0], $0xffff  }
0x216: {  	s14 =	sadd.s32 $0x1, s14;
	v21 =	vld.idx.msk [tilespmem:v10+s9+$0x0], $0xffff  }
0x217: {  	v10 =	vld.idx.msk [tilespmem:v10+s7+$0x0], $0xffff;
	v19 =	vadd.s32 s14, v0  }
0x218: {  	v17 =	vadd.f32 v16, v17;
	[tilespmem:v3+s11+$0x0] =	vst.idx.add.f32.msk vm0, v6  }
0x219: {  	vm1 =	vne.s32 v4, v5;
	v12 =	vmul.f32 v14, v12;
	v13 =	vld.idx.msk [tilespmem:v13+s3+$0x0], $0xffff  }
0x21a: {  	v16 =	vsel vm1, v16, v17;
	v17 =	vld.idx.msk [tilespmem:v15+s7+$0x0], $0xffff;
	vm2 =	vne.s32 v8, v4  }
0x21b: {  	v22 =	vadd.f32 v12, v16;
	vm3 =	vmmov vm2;
	v9 =	vmul.f32 v11, v9;
	v11 =	vld.idx.msk [tilespmem:v15+s9+$0x0], $0xffff  }
0x21c: {  	vm4 =	vne.s32 v18, v8;
	v23 =	vld.idx.msk [tilespmem:v19+s7+$0x0], $0xffff  }
0x21d: {  	vm5 =	vne.s32 v10, v18;
	v12 =	vsel vm2, v12, v22;
	v15 =	vld.idx.msk [tilespmem:v20+s3+$0x0], $0xffff  }
0x21e: {  	v14 =	vld.idx.msk [tilespmem:v19+s8+$0x0], $0xffff;
	v3 =	vadd.f32 v9, v12  }
0x21f: {  	[tilespmem:v5+s11+$0x0] =	vst.idx.add.f32.msk vm1, v7;
	v5 =	vmul.f32 v13, v21;
	vm0 =	vne.s32 v17, v10  }
0x220: {  	v3 =	vsel vm4, v9, v3  }
0x221: {  	v6 =	vadd.f32 v5, v3;
	[tilespmem:v4+s11+$0x0] =	vst.idx.add.f32.msk vm3, v16;
	vm1 =	vne.s32 v23, v17  }
0x222: {  	[tilespmem:v8+s11+$0x0] =	vst.idx.add.f32.msk vm4, v12;
	v4 =	vmul.f32 v15, v11  }
0x223: {  	[tilespmem:v18+s11+$0x0] =	vst.idx.add.f32.msk vm5, v3;
	v5 =	vsel vm5, v5, v6  }
0x224: {  	v3 =	vld.idx.msk [tilespmem:v19+s9+$0x0], $0xffff;
	v6 =	vadd.f32 v4, v5  }
0x225: {  	[tilespmem:v10+s11+$0x0] =	vst.idx.add.f32.msk vm0, v5  }
0x226: {  	v7 =	vld.idx.msk [tilespmem:v14+s3+$0x0], $0xffff;
	v4 =	vsel vm0, v4, v6  }
0x227: {  	[tilespmem:v17+s11+$0x0] =	vst.idx.add.f32.msk vm1, v4  }
0x228: {  	v5 =	vld.idx.msk [tilespmem:v2+s8+$0x0], $0xffff;
	_ =	sdelay $0x5  }
0x229: {  	v6 =	vld.idx.msk [tilespmem:v2+s7+$0x0], $0xffff  }
0x22a: {  	v8 =	vld.idx.msk [tilespmem:v2+s9+$0x0], $0xffff  }
0x22b: {  	v5 =	vld.idx.msk [tilespmem:v5+s3+$0x0], $0xffff;
	_ =	sdelay $0x1  }
0x22c: {  	v3 =	vmul.f32 v7, v3  }
0x22d: {  	vm0 =	vne.s32 v6, v23  }
0x22e: {  	v4 =	vadd.f32 v3, v4  }
0x22f: {  	v5 =	vmul.f32 v5, v8  }
0x230: {  	v3 =	vsel vm1, v3, v4  }
0x231: {  	v4 =	vadd.f32 v5, v3;
	_ =	sdelay $0x1  }
0x232: {  	[tilespmem:v23+s11+$0x0] =	vst.idx.add.f32.msk vm0, v3;
	v3 =	vsel vm0, v5, v4  }
0x233: {  	s15 =	simm.s32 @p0 $0x6480;
	s14 =	simm.s32 @p0 $0x0;
	[tilespmem:v6+s11+$0x0] =	vst.idx.add.f32.msk $0xffff, v3  }
0x234: {  	[tilespmem:s15], [sflag:$0x2] =	stream.linear.gather @p0 [hbm4b:s29+s14], $0x1234, $0x38;
	[tilespmem:$0x15B00] =	vst v63  }
0x235: {  	s15 =	simm.s32 @p0 $0xAD80  }
0x236: {  	[tilespmem:s15], [sflag:$0x2] =	stream.linear.gather @p0 [hbm4b:s30+s14], $0x1234, $0x38;
	[tilespmem:$0x15B00] =	vst v63  }
0x237: {  	s15 =	simm.s32 @p0 $0xF680  }
0x238: {  	[tilespmem:s15], [sflag:$0x2] =	stream.linear.gather @p0 [hbm4b:s31+s14], $0x1234, $0x38;
	[tilespmem:$0x15B00] =	vst v63  }
0x239: {  	s14 =	simm.s32 @!p0 $0x0;
	s15 =	simm.s32 @!p0 $0x6480  }
0x23a: {  	[tilespmem:s15], [sflag:$0x2] =	stream.linear.gather @!p0 [hbm4b:s25+s14], $0x2410, $0x38;
	[tilespmem:$0x15B00] =	vst v63  }
0x23b: {  	s15 =	simm.s32 @!p0 $0xAD80  }
0x23c: {  	[tilespmem:s15], [sflag:$0x2] =	stream.linear.gather @!p0 [hbm4b:s26+s14], $0x2410, $0x38;
	[tilespmem:$0x15B00] =	vst v63  }
0x23d: {  	s15 =	simm.s32 @!p0 $0xF680  }
0x23e: {  	[tilespmem:s15], [sflag:$0x2] =	stream.linear.gather @!p0 [hbm4b:s28+s14], $0x2410, $0x38;
	[tilespmem:$0x15B00] =	vst v63  }
0x23f: {  	_ =	swait.ge [sflag:s10], $0x2410  }
0x240: {  	[sflag:s10] =	ssyncset.done $0x0  }
0x241: {  	[sflag:s10] =	ssyncadd.s32 $0xFFFFDBF0  }
0x242: {  	s15 =	simm.s32 $0x0;
	_ =	swait.ge [sflag:s10], $0x2410  }
0x243: {  	v4 =	vadd.s32 s15, v0;
	[sflag:s10] =	ssyncset.done $0x0  }
0x244: {  	[sflag:s10] =	ssyncadd.s32 $0xFFFFDBF0  }
0x245: {  	s16 =	simm.s32 $0x1;
	_ =	swait.ge [sflag:s10], $0x2410  }
0x246: {  	v5 =	vadd.s32 s16, v0;
	[sflag:s10] =	ssyncset.done $0x0  }
0x247: {  	s15 =	simm.s32 $0x2;
	[sflag:s10] =	ssyncadd.s32 $0xFFFFDBF0  }
0x248: {  	v7 =	vadd.s32 s15, v0;
	v6 =	vld.idx.msk [tilespmem:v4+s4+$0x0], $0xffff;
	_ =	sdelay $0x2  }
0x249: {  	v8 =	vld.idx.msk [tilespmem:v5+s4+$0x0], $0xffff  }
0x24a: {  	s16 =	simm.s32 $0x3;
	v18 =	vld.idx.msk [tilespmem:v0+s1+$0x0], $0xffff  }
0x24b: {  	v15 =	vadd.s32 s16, v0;
	v11 =	vld.idx.msk [tilespmem:v7+s4+$0x0], $0xffff  }
0x24c: {  	v3 =	vld.idx.msk [tilespmem:v4+s1+$0x0], $0xffff  }
0x24d: {  	v4 =	vld.idx.msk [tilespmem:v4+s5+$0x0], $0xffff  }
0x24e: {  	v6 =	vld.idx.msk [tilespmem:v6+s3+$0x0], $0xffff  }
0x24f: {  	v12 =	vld.idx.msk [tilespmem:v5+s5+$0x0], $0xffff  }
0x250: {  	s15 =	simm.s32 $0x4;
	v13 =	vld.idx.msk [tilespmem:v15+s4+$0x0], $0xffff  }
0x251: {  	v9 =	vadd.s32 s15, v0;
	v8 =	vld.idx.msk [tilespmem:v8+s3+$0x0], $0xffff  }
0x252: {  	v5 =	vld.idx.msk [tilespmem:v5+s1+$0x0], $0xffff  }
0x253: {  	s16 =	simm.s32 $0x5;
	v16 =	vld.idx.msk [tilespmem:v11+s3+$0x0], $0xffff;
	v6 =	vmul.f32 v6, v4  }
0x254: {  	v19 =	vimm.f32 $0.0e+00;
	v10 =	vadd.s32 s16, v0;
	v4 =	vld.idx.msk [tilespmem:v7+s1+$0x0], $0xffff  }
0x255: {  	vm3 =	vmmov vm1;
	vm1 =	vne.s32 v3, v18;
	v7 =	vld.idx.msk [tilespmem:v7+s5+$0x0], $0xffff;
	v14 =	vadd.f32 v6, v19  }
0x256: {  	v11 =	vld.idx.msk [tilespmem:v9+s4+$0x0], $0xffff;
	v8 =	vmul.f32 v8, v12  }
0x257: {  	v12 =	vld.idx.msk [tilespmem:v15+s5+$0x0], $0xffff;
	v6 =	vsel vm1, v6, v14  }
0x258: {  	v14 =	vld.idx.msk [tilespmem:v13+s3+$0x0], $0xffff;
	v17 =	vadd.f32 v8, v6  }
0x259: {  	vm0 =	vne.s32 v5, v3;
	v13 =	vld.idx.msk [tilespmem:v10+s4+$0x0], $0xffff  }
0x25a: {  	s14 =	simm.s32 $0x6;
	v16 =	vmul.f32 v16, v7;
	v17 =	vsel vm0, v8, v17;
	v8 =	vld.idx.msk [tilespmem:v15+s1+$0x0], $0xffff  }
0x25b: {  	vm2 =	vmmov vm5;
	s15 =	simm.s32 $0x8;
	[tilespmem:v18+s11+$0x0] =	vst.idx.add.f32.msk vm1, v19;
	vm0 =	vmmov vm0;
	v15 =	vadd.s32 s14, v0;
	v7 =	vmovc v17  }
.LBB2_16:
0x25c: {  	p1 =	slt.u32 s15, $0x23E;
	v18 =	vld.idx.msk [tilespmem:v9+s1+$0x0], $0xffff;
	v17 =	vadd.f32 v16, v17  }
0x25d: {  	s16 =	sadd.s32 $0x1, s14;
	vm1 =	vne.s32 v4, v5;
	v20 =	vmul.f32 v14, v12;
	s14 =	smov.u32 s15;
	v19 =	vld.idx.msk [tilespmem:v9+s5+$0x0], $0xffff;
	v9 =	vmov v15  }
0x25e: {  	v21 =	vadd.s32 s16, v0;
	v22 =	vld.idx.msk [tilespmem:v11+s3+$0x0], $0xffff;
	v16 =	vsel vm1, v16, v17  }
0x25f: {  	v23 =	vmov v5;
	v11 =	vld.idx.msk [tilespmem:v15+s4+$0x0], $0xffff;
	v15 =	vadd.f32 v20, v16;
	v5 =	vmov v8  }
0x260: {  	vm2 =	vne.s32 v8, v4;
	v12 =	vld.idx.msk [tilespmem:v10+s5+$0x0], $0xffff  }
.Ltmp9:
0x261: {  	v14 =	vld.idx.msk [tilespmem:v13+s3+$0x0], $0xffff;
	v17 =	vsel vm2, v20, v15;
	(pc) =	sbr.rel @p1 .LBB2_16-.Ltmp9, $4  }
0x262: {  	[tilespmem:v3+s11+$0x0] =	vst.idx.add.f32.msk vm0, v6;
	v3 =	vmovc v4;
	v4 =	vmov v18;
	v6 =	vmov v16;
	vm0 =	vmmov vm2  }
0x263: {  	v13 =	vld.idx.msk [tilespmem:v21+s4+$0x0], $0xffff  }
0x264: {  	v15 =	vadd.s32 s15, v0;
	v16 =	vmul.f32 v22, v19;
	v8 =	vld.idx.msk [tilespmem:v10+s1+$0x0], $0xffff;
	v10 =	vmov v21  }
0x265: {  	s15 =	sadd.s32 $0x2, s15;
	[tilespmem:v23+s11+$0x0] =	vst.idx.add.f32.msk vm1, v7;
	v7 =	vmov v17  }
0x266: {  	_ =	sdelay $0x3  }
0x267: {  	v18 =	vld.idx.msk [tilespmem:v9+s1+$0x0], $0xffff  }
0x268: {  	v53 =	vld.idx.msk [tilespmem:v9+s5+$0x0], $0xffff  }
0x269: {  	v11 =	vld.idx.msk [tilespmem:v11+s3+$0x0], $0xffff  }
0x26a: {  	v20 =	vld.idx.msk [tilespmem:v15+s4+$0x0], $0xffff  }
0x26b: {  	s14 =	sadd.s32 $0x1, s14;
	v21 =	vld.idx.msk [tilespmem:v10+s5+$0x0], $0xffff  }
0x26c: {  	v54 =	vld.idx.msk [tilespmem:v10+s1+$0x0], $0xffff;
	v19 =	vadd.s32 s14, v0  }
0x26d: {  	v17 =	vadd.f32 v16, v17;
	v56 =	vld.idx.msk [tilespmem:v15+s1+$0x0], $0xffff  }
0x26e: {  	vm1 =	vne.s32 v4, v5;
	v12 =	vmul.f32 v14, v12;
	v57 =	vld.idx.msk [tilespmem:v15+s5+$0x0], $0xffff  }
0x26f: {  	v13 =	vld.idx.msk [tilespmem:v13+s3+$0x0], $0xffff;
	v16 =	vsel vm1, v16, v17;
	vm2 =	vne.s32 v8, v4  }
0x270: {  	[tilespmem:v3+s11+$0x0] =	vst.idx.add.f32.msk vm0, v6;
	v22 =	vadd.f32 v12, v16;
	vm3 =	vmmov vm2  }
0x271: {  	v9 =	vmul.f32 v11, v53;
	vm4 =	vne.s32 v18, v8;
	v23 =	vld.idx.msk [tilespmem:v19+s1+$0x0], $0xffff  }
0x272: {  	vm5 =	vne.s32 v54, v18;
	v12 =	vsel vm2, v12, v22;
	v58 =	vld.idx.msk [tilespmem:v20+s3+$0x0], $0xffff  }
0x273: {  	v55 =	vld.idx.msk [tilespmem:v19+s4+$0x0], $0xffff;
	v3 =	vadd.f32 v9, v12  }
0x274: {  	vm12 =	vne.s32 v56, v54;
	v59 =	vmul.f32 v13, v21  }
0x275: {  	[tilespmem:v5+s11+$0x0] =	vst.idx.add.f32.msk vm1, v7;
	v3 =	vsel vm4, v9, v3  }
0x276: {  	v60 =	vadd.f32 v59, v3;
	[tilespmem:v4+s11+$0x0] =	vst.idx.add.f32.msk vm3, v16;
	vm13 =	vne.s32 v23, v56  }
0x277: {  	[tilespmem:v8+s11+$0x0] =	vst.idx.add.f32.msk vm4, v12;
	v61 =	vmul.f32 v58, v57  }
0x278: {  	[tilespmem:v18+s11+$0x0] =	vst.idx.add.f32.msk vm5, v3;
	v5 =	vsel vm5, v59, v60  }
0x279: {  	v3 =	vld.idx.msk [tilespmem:v19+s5+$0x0], $0xffff;
	v6 =	vadd.f32 v61, v5  }
0x27a: {  	[tilespmem:v54+s11+$0x0] =	vst.idx.add.f32.msk vm12, v5  }
0x27b: {  	v62 =	vld.idx.msk [tilespmem:v55+s3+$0x0], $0xffff;
	v4 =	vsel vm12, v61, v6  }
0x27c: {  	[tilespmem:v56+s11+$0x0] =	vst.idx.add.f32.msk vm13, v4  }
0x27d: {  	v5 =	vld.idx.msk [tilespmem:v2+s4+$0x0], $0xffff;
	_ =	sdelay $0x5  }
0x27e: {  	v63 =	vld.idx.msk [tilespmem:v2+s1+$0x0], $0xffff  }
0x27f: {  	v8 =	vld.idx.msk [tilespmem:v2+s5+$0x0], $0xffff  }
0x280: {  	v5 =	vld.idx.msk [tilespmem:v5+s3+$0x0], $0xffff;
	_ =	sdelay $0x1  }
0x281: {  	v3 =	vmul.f32 v62, v3  }
0x282: {  	vm15 =	vne.s32 v63, v23  }
0x283: {  	v4 =	vadd.f32 v3, v4  }
0x284: {  	v5 =	vmul.f32 v5, v8  }
.Ltmp10:
0x285: {  	v3 =	vsel vm13, v3, v4;
	(pc) =	sbr.rel @!p0 .LBB2_18-.Ltmp10, $3  }
0x286: {  	v4 =	vadd.f32 v5, v3;
	_ =	sdelay $0x1  }
0x287: {  	[tilespmem:v23+s11+$0x0] =	vst.idx.add.f32.msk vm15, v3;
	v3 =	vsel vm15, v5, v4  }
0x288: {  	vm11 =	vmmov vm5;
	vm14 =	vmmov vm13;
	[tilespmem:v63+s11+$0x0] =	vst.idx.add.f32.msk $0xffff, v3  }
0x289: {  	_ =	swait.ge [sflag:s6], $0x1234  }
0x28a: {  	[sflag:s6] =	ssyncset.done $0x0  }
0x28b: {  	[sflag:s6] =	ssyncadd.s32 $0xFFFFEDCC  }
0x28c: {  	_ =	swait.ge [sflag:s6], $0x1234  }
0x28d: {  	[sflag:s6] =	ssyncset.done $0x0  }
0x28e: {  	[sflag:s6] =	ssyncadd.s32 $0xFFFFEDCC  }
0x28f: {  	_ =	swait.ge [sflag:s6], $0x1234  }
0x290: {  	[sflag:s6] =	ssyncset.done $0x0  }
0x291: {  	s15 =	simm.s32 $0x0;
	s14 =	simm.s32 $0x40;
	[sflag:s6] =	ssyncadd.s32 $0xFFFFEDCC  }
.LBB2_22:
0x292: {  	p1 =	sne.s32 s14, $0x4880;
	v3 =	vld [tilespmem:s15+$0xAD80];
	_ =	sdelay $0x6  }
0x293: {  	v4 =	vld [tilespmem:s15+$0x6480]  }
0x294: {  	v3 =	vld.idx.msk [tilespmem:v3+s3+$0x0], $0xffff  }
0x295: {  	v5 =	vld [tilespmem:s15+$0xF680];
	_ =	sdelay $0x2  }
.Ltmp11:
0x296: {  	(pc) =	sbr.rel @p1 .LBB2_22-.Ltmp11, $3  }
0x297: {  	_ = 	snop  }
0x298: {  	v3 =	vmul.f32 v3, v5;
	_ =	sdelay $0x1  }
0x299: {  	s15 =	sshra.s32 s14, $0x2;
	s14 =	sadd.s32 $0x40, s14;
	[tilespmem:v4+s11+$0x0] =	vst.idx.add.f32.msk $0xffff, v3  }
0x29a: {  	v3 =	vld [tilespmem:s15+$0xAD80];
	_ =	sdelay $0x5  }
0x29b: {  	v4 =	vld [tilespmem:s15+$0x6480]  }
0x29c: {  	v5 =	vld [tilespmem:s15+$0xF680]  }
0x29d: {  	v3 =	vld.idx.msk [tilespmem:v3+s3+$0x0], $0xffff;
	_ =	sdelay $0x4  }
0x29e: {  	v3 =	vmul.f32 v3, v5;
	_ =	sdelay $0x1  }
0x29f: {  	[tilespmem:v4+s11+$0x0] =	vst.idx.add.f32.msk $0xffff, v3  }
0x2a0: {  	v3 =	vld [tilespmem:$0xBFB0];
	_ =	sdelay $0x3  }
0x2a1: {  	vm0 =	vmmov $0xf  }
0x2a2: {  	v3 =	vnsel vm0, $0x0, v3;
	_ =	sdelay $0x1  }
0x2a3: {  	v4 =	vld [tilespmem:$0x76B0];
	_ =	sdelay $0x1  }
0x2a4: {  	v63 =	vld [tilespmem:$0x108B0]  }
0x2a5: {  	v3 =	vld.idx.msk [tilespmem:v3+s3+$0x0], $0xf;
	_ =	sdelay $0x1  }
0x2a6: {  	v4 =	vnsel vm0, $0x0, v4  }
.Ltmp12:
0x2a7: {  	_ = 	snop;
	(pc) =	sbr.rel .LBB2_24-.Ltmp12, $3  }
0x2a8: {  	v5 =	vnsel vm0, $0x0, v63  }
0x2a9: {  	v3 =	vmul.f32 v3, v5;
	_ =	sdelay $0x1  }
0x2aa: {  	[tilespmem:v4+s11+$0x0] =	vst.idx.add.f32.msk $0xf, v3  }
.LBB2_18:
0x2ab: {  	_ =	swait.ge [sflag:s6], $0x2410  }
0x2ac: {  	[sflag:s6] =	ssyncset.done $0x0  }
0x2ad: {  	[sflag:s6] =	ssyncadd.s32 $0xFFFFDBF0  }
0x2ae: {  	s14 =	simm.s32 $0x0;
	_ =	swait.ge [sflag:s6], $0x2410  }
0x2af: {  	v4 =	vadd.s32 s14, v0;
	[sflag:s6] =	ssyncset.done $0x0  }
0x2b0: {  	[sflag:s6] =	ssyncadd.s32 $0xFFFFDBF0  }
0x2b1: {  	s16 =	simm.s32 $0x1;
	_ =	swait.ge [sflag:s6], $0x2410  }
0x2b2: {  	v5 =	vadd.s32 s16, v0;
	[sflag:s6] =	ssyncset.done $0x0  }
0x2b3: {  	s15 =	simm.s32 $0x2;
	[sflag:s6] =	ssyncadd.s32 $0xFFFFDBF0  }
0x2b4: {  	v7 =	vadd.s32 s15, v0;
	v6 =	vld.idx.msk [tilespmem:v4+s8+$0x0], $0xffff;
	_ =	sdelay $0x2  }
0x2b5: {  	v8 =	vld.idx.msk [tilespmem:v5+s8+$0x0], $0xffff  }
0x2b6: {  	s16 =	simm.s32 $0x3;
	v18 =	vld.idx.msk [tilespmem:v0+s7+$0x0], $0xffff  }
0x2b7: {  	v15 =	vadd.s32 s16, v0;
	v11 =	vld.idx.msk [tilespmem:v7+s8+$0x0], $0xffff  }
0x2b8: {  	v3 =	vld.idx.msk [tilespmem:v4+s7+$0x0], $0xffff  }
0x2b9: {  	v4 =	vld.idx.msk [tilespmem:v4+s9+$0x0], $0xffff  }
0x2ba: {  	v6 =	vld.idx.msk [tilespmem:v6+s3+$0x0], $0xffff  }
0x2bb: {  	v12 =	vld.idx.msk [tilespmem:v5+s9+$0x0], $0xffff  }
0x2bc: {  	s15 =	simm.s32 $0x4;
	v13 =	vld.idx.msk [tilespmem:v15+s8+$0x0], $0xffff  }
0x2bd: {  	v9 =	vadd.s32 s15, v0;
	v8 =	vld.idx.msk [tilespmem:v8+s3+$0x0], $0xffff  }
0x2be: {  	v5 =	vld.idx.msk [tilespmem:v5+s7+$0x0], $0xffff  }
0x2bf: {  	s16 =	simm.s32 $0x5;
	v16 =	vld.idx.msk [tilespmem:v11+s3+$0x0], $0xffff;
	v6 =	vmul.f32 v6, v4  }
0x2c0: {  	v19 =	vimm.f32 $0.0e+00;
	v10 =	vadd.s32 s16, v0;
	v4 =	vld.idx.msk [tilespmem:v7+s7+$0x0], $0xffff  }
0x2c1: {  	vm1 =	vne.s32 v3, v18;
	v7 =	vld.idx.msk [tilespmem:v7+s9+$0x0], $0xffff;
	v14 =	vadd.f32 v6, v19  }
0x2c2: {  	v11 =	vld.idx.msk [tilespmem:v9+s8+$0x0], $0xffff;
	v8 =	vmul.f32 v8, v12  }
0x2c3: {  	v12 =	vld.idx.msk [tilespmem:v15+s9+$0x0], $0xffff;
	v6 =	vsel vm1, v6, v14  }
0x2c4: {  	v14 =	vld.idx.msk [tilespmem:v13+s3+$0x0], $0xffff;
	v17 =	vadd.f32 v8, v6  }
0x2c5: {  	vm0 =	vne.s32 v5, v3;
	v13 =	vld.idx.msk [tilespmem:v10+s8+$0x0], $0xffff  }
0x2c6: {  	s14 =	simm.s32 $0x6;
	v16 =	vmul.f32 v16, v7;
	v17 =	vsel vm0, v8, v17;
	v8 =	vld.idx.msk [tilespmem:v15+s7+$0x0], $0xffff  }
0x2c7: {  	s15 =	simm.s32 $0x8;
	[tilespmem:v18+s11+$0x0] =	vst.idx.add.f32.msk vm1, v19;
	vm0 =	vmmov vm0;
	v15 =	vadd.s32 s14, v0;
	v7 =	vmov v17  }
.LBB2_19:
0x2c8: {  	p1 =	slt.u32 s15, $0x23E;
	v18 =	vld.idx.msk [tilespmem:v9+s7+$0x0], $0xffff;
	v17 =	vadd.f32 v16, v17  }
0x2c9: {  	s16 =	sadd.s32 $0x1, s14;
	vm1 =	vne.s32 v4, v5;
	v20 =	vmul.f32 v14, v12;
	s14 =	smov.u32 s15;
	v19 =	vld.idx.msk [tilespmem:v9+s9+$0x0], $0xffff;
	v9 =	vmov v15  }
0x2ca: {  	v21 =	vadd.s32 s16, v0;
	v22 =	vld.idx.msk [tilespmem:v11+s3+$0x0], $0xffff;
	v16 =	vsel vm1, v16, v17  }
0x2cb: {  	v23 =	vmov v5;
	v5 =	vmov v8;
	v11 =	vld.idx.msk [tilespmem:v15+s8+$0x0], $0xffff;
	v15 =	vadd.f32 v20, v16  }
0x2cc: {  	vm2 =	vne.s32 v8, v4;
	v12 =	vld.idx.msk [tilespmem:v10+s9+$0x0], $0xffff  }
.Ltmp13:
0x2cd: {  	v14 =	vld.idx.msk [tilespmem:v13+s3+$0x0], $0xffff;
	v17 =	vsel vm2, v20, v15;
	(pc) =	sbr.rel @p1 .LBB2_19-.Ltmp13, $4  }
0x2ce: {  	[tilespmem:v3+s11+$0x0] =	vst.idx.add.f32.msk vm0, v6;
	v3 =	vmovc v4;
	v4 =	vmov v18;
	v6 =	vmov v16;
	vm0 =	vmmov vm2  }
0x2cf: {  	v13 =	vld.idx.msk [tilespmem:v21+s8+$0x0], $0xffff  }
0x2d0: {  	v15 =	vadd.s32 s15, v0;
	v16 =	vmul.f32 v22, v19;
	v8 =	vld.idx.msk [tilespmem:v10+s7+$0x0], $0xffff;
	v10 =	vmov v21  }
0x2d1: {  	s15 =	sadd.s32 $0x2, s15;
	[tilespmem:v23+s11+$0x0] =	vst.idx.add.f32.msk vm1, v7;
	v7 =	vmov v17  }
.Ltmp14:
0x2d2: {  	_ = 	snop;
	(pc) =	sbr.rel .LBB2_20-.Ltmp14, $1  }
0x2d3: {  	_ =	sdelay $0x3  }
.LBB2_25:
0x2d4: {  	_ =	sfence.sel $0x180000  }
0x2d5: {  	[bflag:$0x0] =	sbarrier.arrive $0xFFFF  }
0x2d6: {  	_ =	strace $0x90000047  }
0x2d7: {  	s0 =	stileid.u32;
	[bflag:$0x2] =	sbarrier.arrive $0xFFFF  }
0x2d8: {  	p0 =	sne.s32 s0, $0x0;
	s0 =	rddreg [dreg:$0x5]  }
0x2d9: {  	s0 =	sadd.s32 @!p0 $0x100000, s0  }
0x2da: {  	[sflag:s0] =	ssyncadd.tile.s32 @!p0 $0x1;
	_ =	shalt  }
.Lfunc_end2:
_tile_overlayer_lowered:
.L_overlay_start_2:
0x2db: {  	(tag) =	ssettag $0x2  }
0x2dc: {  	s0 =	rddreg [dreg:$0x0];
	s2 =	stileid.u32  }
0x2dd: {  	s1 =	rddreg [dreg:$0x1];
	p0 =	sne.s32 s2, $0x0  }
0x2de: {  	s3 =	rddreg [dreg:$0x2];
	[bflag:$0x3] =	sbarrier.arrive $0xFFFF;
	s2 =	simm.s32 @!p0 $0x1C03  }
0x2df: {  	[timem:s3], [sflag:s2] =	dma.local @!p0 [hbm:s0], s1  }
0x2e0: {  	s0 =	simm.s32 @!p0 $0x3  }
0x2e1: {  	_ =	swait.ge @!p0 [sflag:s0], s1  }
0x2e2: {  	s1 =	ssub.s32 @!p0 $0x0, s1;
	[sflag:s0] =	ssyncset.done @!p0 $0x0  }
0x2e3: {  	[sflag:s0] =	ssyncadd.s32 @!p0 s1  }
0x2e4: {  	[bflag:$0x3] =	sbarrier.arrive $0xFFFF  }
0x2e5: {  	_ =	shalt  }

</sc_bundles>
